<compile_context>
chip_gen: v7x
topology: tpu7x:2x2x1
jax: 0.10.2.dev20260603
libtpu: 0.0.44.dev20260713+nightly
codegen_flags: <defaults>
</compile_context>

<pallas_src>
import functools

import jax
import jax.numpy as jnp
from jax import lax
from jax.experimental import pallas as pl
from jax.experimental.pallas import tpu as pltpu
from jax.experimental.pallas import tpu_sc as plsc

NC = 2
NS = 16
NW = NC * NS
QBLK = 30


def _transform_tc(ref_feat, w):
    K0, D1, D2 = w.shape
    N = ref_feat.shape[0]

    def body(x_ref, w_ref, o_ref):
        o_ref[0] = jnp.dot(x_ref[...], w_ref[0],
                           preferred_element_type=jnp.float32)

    return pl.pallas_call(
        body,
        grid=(K0,),
        in_specs=[
            pl.BlockSpec((N, D1), lambda k: (0, 0)),
            pl.BlockSpec((1, D1, D2), lambda k: (k, 0, 0)),
        ],
        out_specs=pl.BlockSpec((1, N, D2), lambda k: (k, 0, 0)),
        out_shape=jax.ShapeDtypeStruct((K0, N, D2), jnp.float32),
    )(ref_feat, w)


def _scatter_sc(tr2d, gidx, qidx, Npad, D2):
    _, NQB, _, C = qidx.shape
    NCH = NQB * QBLK
    rows_per_tile = Npad // NS
    ZFULL = rows_per_tile // C
    ZREM = rows_per_tile - ZFULL * C
    mesh = plsc.VectorSubcoreMesh(core_axis_name="c", subcore_axis_name="s")

    @functools.partial(
        pl.kernel,
        mesh=mesh,
        out_type=jax.ShapeDtypeStruct((NC, Npad, D2), jnp.float32),
        scratch_types=[
            pltpu.VMEM((QBLK, C), jnp.int32),
            pltpu.VMEM((2, QBLK, C), jnp.int32),
            pltpu.VMEM((6, C, D2), jnp.float32),
            pltpu.VMEM_SHARED((Npad, D2), jnp.float32),
            [pltpu.SemaphoreType.DMA] * 6,
            [pltpu.SemaphoreType.DMA] * 6,
        ],
    )
    def body(tr_hbm, gidx_hbm, qidx_hbm, out_hbm,
             gslot, qslot, rows, acc, gsems, ssems):
        cid = lax.axis_index("c")
        sid = lax.axis_index("s")
        wid = sid * NC + cid
        base = sid * rows_per_tile

        zvec = jnp.zeros((16,), jnp.float32)

        def zfill(r, carry):
            for j in range(D2 // 16):
                rows[0, r, pl.ds(j * 16, 16)] = zvec
            return carry

        lax.fori_loop(0, C, zfill, 0)

        def zcopy(i, carry):
            pltpu.sync_copy(rows.at[0], acc.at[pl.ds(base + i * C, C)])
            return carry

        lax.fori_loop(0, ZFULL, zcopy, 0)
        if ZREM:
            pltpu.sync_copy(rows.at[0].at[pl.ds(0, ZREM)],
                            acc.at[pl.ds(base + ZFULL * C, ZREM)])
        plsc.subcore_barrier()

        spb = QBLK // 6

        def drain(j):
            pltpu.make_async_copy(rows.at[j], acc.at[qslot.at[0, 0]],
                                  ssems[j]).wait()

        def six(s, carry):
            c0 = 6 * s
            b = s // spb
            bp = b % 2
            l0 = c0 - b * QBLK

            @pl.when(s > 0)
            def _():
                for j in range(3):
                    drain(j)

            @pl.when(l0 == 0)
            def _():
                pltpu.sync_copy(gidx_hbm.at[wid, b], gslot)
                pltpu.sync_copy(qidx_hbm.at[wid, b], qslot.at[bp])

            hA = [pltpu.async_copy(tr_hbm.at[gslot.at[l0 + j]],
                                   rows.at[j], gsems[j]) for j in range(3)]

            @pl.when(s > 0)
            def _():
                for j in range(3, 6):
                    drain(j)

            for j in range(3):
                hA[j].wait()
                pltpu.async_copy(rows.at[j], acc.at[qslot.at[bp, l0 + j]],
                                 ssems[j], add=True)

            hB = [pltpu.async_copy(tr_hbm.at[gslot.at[l0 + 3 + j]],
                                   rows.at[3 + j], gsems[3 + j])
                  for j in range(3)]
            for j in range(3):
                hB[j].wait()
                pltpu.async_copy(rows.at[3 + j],
                                 acc.at[qslot.at[bp, l0 + 3 + j]],
                                 ssems[3 + j], add=True)
            return carry

        lax.fori_loop(0, NCH // 6, six, 0)
        for j in range(6):
            drain(j)
        plsc.subcore_barrier()

        pltpu.sync_copy(acc.at[pl.ds(base, rows_per_tile)],
                        out_hbm.at[cid, pl.ds(base, rows_per_tile)])

    return body(tr2d, gidx, qidx)


def _add_tc(parts, N):
    _, Npad, D2 = parts.shape

    def body(p_ref, o_ref):
        o_ref[...] = p_ref[0, :N] + p_ref[1, :N]

    return pl.pallas_call(
        body,
        out_shape=jax.ShapeDtypeStruct((N, D2), jnp.float32),
    )(parts)


def kernel(ref_feat, e_kernel, e_ref, e_query, num_queries, kernel):
    w = kernel
    N, D1 = ref_feat.shape
    K0, _, D2 = w.shape
    E = e_ref.shape[0]
    C = 48
    EW = E // NW
    NCH = (EW + C - 1) // C
    NQB = (NCH + QBLK - 1) // QBLK
    NCH = NQB * QBLK
    EWP = NCH * C
    assert NCH % 6 == 0 and QBLK % 6 == 0
    Npad = ((N + NS * 8 - 1) // (NS * 8)) * NS * 8

    transformed = _transform_tc(ref_feat, w)
    tr2d = transformed.reshape(K0 * N, D2)

    g = (e_kernel.astype(jnp.int32) * N + e_ref.astype(jnp.int32))
    gidx = jnp.pad(g.reshape(NW, EW), ((0, 0), (0, EWP - EW)),
                   constant_values=0).reshape(NW, NQB, QBLK, C)
    qidx = jnp.pad(e_query.astype(jnp.int32).reshape(NW, EW),
                   ((0, 0), (0, EWP - EW)),
                   constant_values=N).reshape(NW, NQB, QBLK, C)

    parts = _scatter_sc(tr2d, gidx, qidx, Npad, D2)
    return _add_tc(parts, N)

# --- scband reference (transcript-rebuilt; emitter-appended) ---
"""Pipeline reference for scband-message-passing-block-67997922230575 (READ-ONLY COPY).

The authoritative reference and input builder live on the scoring server;
editing this copy changes nothing except your own understanding.
"""

import jax, jax.numpy as jnp
import numpy as np

N = 10000
E = 320000
D1 = 128
D2 = 128
K0 = 27


def setup_inputs(seed=0) -> dict:
    key = jax.random.key(seed)
    ks = jax.random.split(key, 5)
    ref_feat = jax.random.normal(ks[0], (N, D1), dtype=jnp.float32)
    e_kernel = jax.random.randint(ks[1], (E,), 0, K0)
    e_ref = jax.random.randint(ks[2], (E,), 0, N)
    e_query = jax.random.randint(ks[3], (E,), 0, N)
    # kernel init mirrors initialize_kernel_weight: kaiming-style uniform
    fan_in = D1 * K0
    gain = np.sqrt(2.0 / (1.0 + 5.0))  # calculate_gain('leaky_relu', sqrt(5))
    std = gain / np.sqrt(fan_in)
    bound = np.sqrt(3.0) * std
    kernel = jax.random.uniform(ks[4], (K0, D1, D2), minval=-bound, maxval=bound, dtype=jnp.float32)
    return {"ref_feat": ref_feat, "e_kernel": e_kernel, "e_ref": e_ref,
            "e_query": e_query, "num_queries": N, "kernel": kernel}


def reference(ref_feat, e_kernel, e_ref, e_query, num_queries, kernel):
    # Faithful math of MessagePassing.forward (pool_gemm):
    #   query_feat[m] = sum_{e: e_query[e]==m} ref_feat[e_ref[e]] @ kernel[e_kernel[e]]
    # Because the matmul is linear, edges sharing the same (kernel, query) pair can
    # be pre-aggregated before the GEMM -- identical result to the pooled GEMM.
    K0_, D1_, D2_ = kernel.shape
    M = ref_feat.shape[0]
    msg = jnp.take(ref_feat, e_ref, axis=0)                       # gather [E, D1]
    seg = e_kernel * num_queries + e_query                        # joint (kernel, query) segment id
    bucket = jax.ops.segment_sum(msg, seg, num_segments=K0_ * M)
    bucket = bucket.reshape(K0_, M, D1_)                          # [K0, M, D1]
    query_feat = jnp.einsum('kmd,kdo->mo', bucket, kernel)        # per-kernel GEMM + sum over kernels
    return query_feat

if __name__ == "__main__":
    import jax
    _d = setup_inputs()
    print(jax.jit(kernel)(*tuple(_d.values())))

</pallas_src>

<mosaic_0001>
#map = affine_map<(d0, d1) -> (0, 0)>
#map1 = affine_map<(d0, d1) -> (0, 0, 0, 0)>
#map2 = affine_map<(d0, d1) -> (0, 0, 0)>
module attributes {stable_mosaic.version = 14 : i64} {
  func.func @body(%arg0: i32, %arg1: i32, %arg2: memref<270000x128xf32, #tpu.memory_space<hbm>>, %arg3: memref<32x7x30x48xi32, #tpu.memory_space<hbm>>, %arg4: memref<32x7x30x48xi32, #tpu.memory_space<hbm>>, %arg5: memref<2x10112x128xf32, #tpu.memory_space<hbm>>, %arg6: memref<30x48xi32, #tpu.memory_space<vmem>>, %arg7: memref<2x30x48xi32, #tpu.memory_space<vmem>>, %arg8: memref<6x48x128xf32, #tpu.memory_space<vmem>>, %arg9: memref<10112x128xf32, #tpu.memory_space<vmem_shared>>, %arg10: memref<!tpu.dma_semaphore, #tpu.memory_space<semaphore_mem>>, %arg11: memref<!tpu.dma_semaphore, #tpu.memory_space<semaphore_mem>>, %arg12: memref<!tpu.dma_semaphore, #tpu.memory_space<semaphore_mem>>, %arg13: memref<!tpu.dma_semaphore, #tpu.memory_space<semaphore_mem>>, %arg14: memref<!tpu.dma_semaphore, #tpu.memory_space<semaphore_mem>>, %arg15: memref<!tpu.dma_semaphore, #tpu.memory_space<semaphore_mem>>, %arg16: memref<!tpu.dma_semaphore, #tpu.memory_space<semaphore_mem>>, %arg17: memref<!tpu.dma_semaphore, #tpu.memory_space<semaphore_mem>>, %arg18: memref<!tpu.dma_semaphore, #tpu.memory_space<semaphore_mem>>, %arg19: memref<!tpu.dma_semaphore, #tpu.memory_space<semaphore_mem>>, %arg20: memref<!tpu.dma_semaphore, #tpu.memory_space<semaphore_mem>>, %arg21: memref<!tpu.dma_semaphore, #tpu.memory_space<semaphore_mem>>) attributes {dimension_semantics = [#tpu.dimension_semantics<core_parallel>, #tpu.dimension_semantics<subcore_parallel>], iteration_bounds = array<i64: 2, 16>, scalar_prefetch = 0 : i64, scratch_operands = 16 : i64, tpu.core_type = #tpu.core_type<sc_vector_subcore>, window_params = [{transform_indices = #map}, {transform_indices = #map1}, {transform_indices = #map1}, {transform_indices = #map2}]} {
    %mul3A = arith.constant 2 : i32
    %mul3A_0 = arith.muli %arg1, %mul3A : i32
    %add3A = arith.addi %mul3A_0, %arg0 : i32
    %mul3A_1 = arith.constant 632 : i32
    %mul3A_2 = arith.muli %arg1, %mul3A_1 : i32
    %broadcast_in_dim3A = arith.constant 0.000000e+00 : f32
    %broadcast_in_dim3A_3 = vector.broadcast %broadcast_in_dim3A : f32 to vector<16xf32>
    %scan3A = arith.constant 0 : i32
    %scan3A_4 = arith.constant 0 : i32
    %scan3A_5 = arith.constant 48 : i32
    %scan3A_6 = arith.addi %scan3A_4, %scan3A_5 : i32
    %scan3A_7 = arith.constant 1 : i32
    scf.for %scan3A_101 = %scan3A_4 to %scan3A_6 step %scan3A_7  : i32 {
      %swap3A = arith.constant 0 : i32
      %swap3A_102 = arith.index_cast %swap3A : i32 to index
      %swap3A_103 = arith.index_cast %scan3A_101 : i32 to index
      %swap3A_104 = arith.constant 0 : index
      %swap3A_105 = tpu.vector_load %arg8[%swap3A_102, %swap3A_103, %swap3A_104] {strides = array<i32>} : memref<6x48x128xf32, #tpu.memory_space<vmem>>, vector<1x1x16xf32>,
      %swap3A_106 = vector.shape_cast %swap3A_105 : vector<1x1x16xf32> to vector<16xf32>
      %swap3A_107 = vector.shape_cast %broadcast_in_dim3A_3 : vector<16xf32> to vector<1x1x16xf32>
      tpu.vector_store %arg8[%swap3A_102, %swap3A_103, %swap3A_104], %swap3A_107 {strides = array<i32>} : memref<6x48x128xf32, #tpu.memory_space<vmem>>, vector<1x1x16xf32>,
      %swap3A_108 = arith.constant 0 : i32
      %swap3A_109 = arith.index_cast %swap3A_108 : i32 to index
      %swap3A_110 = arith.index_cast %scan3A_101 : i32 to index
      %swap3A_111 = arith.constant 16 : index
      %swap3A_112 = tpu.vector_load %arg8[%swap3A_109, %swap3A_110, %swap3A_111] {strides = array<i32>} : memref<6x48x128xf32, #tpu.memory_space<vmem>>, vector<1x1x16xf32>,
      %swap3A_113 = vector.shape_cast %swap3A_112 : vector<1x1x16xf32> to vector<16xf32>
      %swap3A_114 = vector.shape_cast %broadcast_in_dim3A_3 : vector<16xf32> to vector<1x1x16xf32>
      tpu.vector_store %arg8[%swap3A_109, %swap3A_110, %swap3A_111], %swap3A_114 {strides = array<i32>} : memref<6x48x128xf32, #tpu.memory_space<vmem>>, vector<1x1x16xf32>,
      %swap3A_115 = arith.constant 0 : i32
      %swap3A_116 = arith.index_cast %swap3A_115 : i32 to index
      %swap3A_117 = arith.index_cast %scan3A_101 : i32 to index
      %swap3A_118 = arith.constant 32 : index
      %swap3A_119 = tpu.vector_load %arg8[%swap3A_116, %swap3A_117, %swap3A_118] {strides = array<i32>} : memref<6x48x128xf32, #tpu.memory_space<vmem>>, vector<1x1x16xf32>,
      %swap3A_120 = vector.shape_cast %swap3A_119 : vector<1x1x16xf32> to vector<16xf32>
      %swap3A_121 = vector.shape_cast %broadcast_in_dim3A_3 : vector<16xf32> to vector<1x1x16xf32>
      tpu.vector_store %arg8[%swap3A_116, %swap3A_117, %swap3A_118], %swap3A_121 {strides = array<i32>} : memref<6x48x128xf32, #tpu.memory_space<vmem>>, vector<1x1x16xf32>,
      %swap3A_122 = arith.constant 0 : i32
      %swap3A_123 = arith.index_cast %swap3A_122 : i32 to index
      %swap3A_124 = arith.index_cast %scan3A_101 : i32 to index
      %swap3A_125 = arith.constant 48 : index
      %swap3A_126 = tpu.vector_load %arg8[%swap3A_123, %swap3A_124, %swap3A_125] {strides = array<i32>} : memref<6x48x128xf32, #tpu.memory_space<vmem>>, vector<1x1x16xf32>,
      %swap3A_127 = vector.shape_cast %swap3A_126 : vector<1x1x16xf32> to vector<16xf32>
      %swap3A_128 = vector.shape_cast %broadcast_in_dim3A_3 : vector<16xf32> to vector<1x1x16xf32>
      tpu.vector_store %arg8[%swap3A_123, %swap3A_124, %swap3A_125], %swap3A_128 {strides = array<i32>} : memref<6x48x128xf32, #tpu.memory_space<vmem>>, vector<1x1x16xf32>,
      %swap3A_129 = arith.constant 0 : i32
      %swap3A_130 = arith.index_cast %swap3A_129 : i32 to index
      %swap3A_131 = arith.index_cast %scan3A_101 : i32 to index
      %swap3A_132 = arith.constant 64 : index
      %swap3A_133 = tpu.vector_load %arg8[%swap3A_130, %swap3A_131, %swap3A_132] {strides = array<i32>} : memref<6x48x128xf32, #tpu.memory_space<vmem>>, vector<1x1x16xf32>,
      %swap3A_134 = vector.shape_cast %swap3A_133 : vector<1x1x16xf32> to vector<16xf32>
      %swap3A_135 = vector.shape_cast %broadcast_in_dim3A_3 : vector<16xf32> to vector<1x1x16xf32>
      tpu.vector_store %arg8[%swap3A_130, %swap3A_131, %swap3A_132], %swap3A_135 {strides = array<i32>} : memref<6x48x128xf32, #tpu.memory_space<vmem>>, vector<1x1x16xf32>,
      %swap3A_136 = arith.constant 0 : i32
      %swap3A_137 = arith.index_cast %swap3A_136 : i32 to index
      %swap3A_138 = arith.index_cast %scan3A_101 : i32 to index
      %swap3A_139 = arith.constant 80 : index
      %swap3A_140 = tpu.vector_load %arg8[%swap3A_137, %swap3A_138, %swap3A_139] {strides = array<i32>} : memref<6x48x128xf32, #tpu.memory_space<vmem>>, vector<1x1x16xf32>,
      %swap3A_141 = vector.shape_cast %swap3A_140 : vector<1x1x16xf32> to vector<16xf32>
      %swap3A_142 = vector.shape_cast %broadcast_in_dim3A_3 : vector<16xf32> to vector<1x1x16xf32>
      tpu.vector_store %arg8[%swap3A_137, %swap3A_138, %swap3A_139], %swap3A_142 {strides = array<i32>} : memref<6x48x128xf32, #tpu.memory_space<vmem>>, vector<1x1x16xf32>,
      %swap3A_143 = arith.constant 0 : i32
      %swap3A_144 = arith.index_cast %swap3A_143 : i32 to index
      %swap3A_145 = arith.index_cast %scan3A_101 : i32 to index
      %swap3A_146 = arith.constant 96 : index
      %swap3A_147 = tpu.vector_load %arg8[%swap3A_144, %swap3A_145, %swap3A_146] {strides = array<i32>} : memref<6x48x128xf32, #tpu.memory_space<vmem>>, vector<1x1x16xf32>,
      %swap3A_148 = vector.shape_cast %swap3A_147 : vector<1x1x16xf32> to vector<16xf32>
      %swap3A_149 = vector.shape_cast %broadcast_in_dim3A_3 : vector<16xf32> to vector<1x1x16xf32>
      tpu.vector_store %arg8[%swap3A_144, %swap3A_145, %swap3A_146], %swap3A_149 {strides = array<i32>} : memref<6x48x128xf32, #tpu.memory_space<vmem>>, vector<1x1x16xf32>,
      %swap3A_150 = arith.constant 0 : i32
      %swap3A_151 = arith.index_cast %swap3A_150 : i32 to index
      %swap3A_152 = arith.index_cast %scan3A_101 : i32 to index
      %swap3A_153 = arith.constant 112 : index
      %swap3A_154 = tpu.vector_load %arg8[%swap3A_151, %swap3A_152, %swap3A_153] {strides = array<i32>} : memref<6x48x128xf32, #tpu.memory_space<vmem>>, vector<1x1x16xf32>,
      %swap3A_155 = vector.shape_cast %swap3A_154 : vector<1x1x16xf32> to vector<16xf32>
      %swap3A_156 = vector.shape_cast %broadcast_in_dim3A_3 : vector<16xf32> to vector<1x1x16xf32>
      tpu.vector_store %arg8[%swap3A_151, %swap3A_152, %swap3A_153], %swap3A_156 {strides = array<i32>} : memref<6x48x128xf32, #tpu.memory_space<vmem>>, vector<1x1x16xf32>,
    }
    %scan3A_8 = arith.constant 48 : i32
    %scan3A_9 = arith.constant 0 : i32
    %scan3A_10 = arith.constant 0 : i32
    %scan3A_11 = arith.constant 13 : i32
    %scan3A_12 = arith.addi %scan3A_10, %scan3A_11 : i32
    %scan3A_13 = arith.constant 1 : i32
    scf.for %scan3A_101 = %scan3A_10 to %scan3A_12 step %scan3A_13  : i32 {
      %mul3A_102 = arith.constant 48 : i32
      %mul3A_103 = arith.muli %scan3A_101, %mul3A_102 : i32
      %add3A_104 = arith.addi %mul3A_2, %mul3A_103 : i32
      %run_scoped3A_105 = arith.constant 0 : i32
      "tpu.region"() ({
        %run_scoped3A_106 = tpu.sem_alloc : memref<!tpu.dma_semaphore, #tpu.memory_space<semaphore_mem>>
        %dma_start3A = arith.constant 0 : i32
        %dma_start3A_107 = arith.constant 0 : i32
        %dma_start3A_108 = tpu.memref_slice %arg8[%run_scoped3A_105, %dma_start3A, %dma_start3A_107] : memref<6x48x128xf32, #tpu.memory_space<vmem>> -> memref<1x48x128xf32, #tpu.memory_space<vmem>>
        %dma_start3A_109 = tpu.memref_squeeze %dma_start3A_108 : memref<1x48x128xf32, #tpu.memory_space<vmem>> -> memref<48x128xf32, #tpu.memory_space<vmem>>
        %dma_start3A_110 = arith.constant 0 : i32
        %dma_start3A_111 = tpu.memref_slice %arg9[%add3A_104, %dma_start3A_110] : memref<10112x128xf32, #tpu.memory_space<vmem_shared>> -> memref<48x128xf32, #tpu.memory_space<vmem_shared>>
        %dma_start3A_112 = arith.constant 0 : i32
        %dma_start3A_113 = tpu.memref_slice %arg9[%add3A_104, %dma_start3A_112] : memref<10112x128xf32, #tpu.memory_space<vmem_shared>> -> memref<48x128xf32, #tpu.memory_space<vmem_shared>>
        %dma_start3A_114 = arith.constant 0 : i32
        %dma_start3A_115 = arith.constant 0 : i32
        %dma_start3A_116 = tpu.memref_slice %arg8[%run_scoped3A_105, %dma_start3A_114, %dma_start3A_115] : memref<6x48x128xf32, #tpu.memory_space<vmem>> -> memref<1x48x128xf32, #tpu.memory_space<vmem>>
        %dma_start3A_117 = tpu.memref_squeeze %dma_start3A_116 : memref<1x48x128xf32, #tpu.memory_space<vmem>> -> memref<48x128xf32, #tpu.memory_space<vmem>>
        tpu.enqueue_dma source(%dma_start3A_117 : memref<48x128xf32, #tpu.memory_space<vmem>>) target(%dma_start3A_113 : memref<48x128xf32, #tpu.memory_space<vmem_shared>>) target_semaphore(%run_scoped3A_106 : memref<!tpu.dma_semaphore, #tpu.memory_space<semaphore_mem>>)
        %dma_wait3A_118 = arith.constant 0 : i32
        %dma_wait3A_119 = arith.constant 0 : i32
        %dma_wait3A_120 = tpu.memref_slice %arg8[%run_scoped3A_105, %dma_wait3A_118, %dma_wait3A_119] : memref<6x48x128xf32, #tpu.memory_space<vmem>> -> memref<1x48x128xf32, #tpu.memory_space<vmem>>
        %dma_wait3A_121 = tpu.memref_squeeze %dma_wait3A_120 : memref<1x48x128xf32, #tpu.memory_space<vmem>> -> memref<48x128xf32, #tpu.memory_space<vmem>>
        %dma_wait3A_122 = arith.constant 0 : i32
        %dma_wait3A_123 = tpu.memref_slice %arg9[%add3A_104, %dma_wait3A_122] : memref<10112x128xf32, #tpu.memory_space<vmem_shared>> -> memref<48x128xf32, #tpu.memory_space<vmem_shared>>
        %dma_wait3A_124 = arith.constant 0 : i32
        %dma_wait3A_125 = tpu.memref_slice %arg9[%add3A_104, %dma_wait3A_124] : memref<10112x128xf32, #tpu.memory_space<vmem_shared>> -> memref<48x128xf32, #tpu.memory_space<vmem_shared>>
        %dma_wait3A_126 = arith.constant 0 : i32
        %dma_wait3A_127 = arith.constant 0 : i32
        %dma_wait3A_128 = tpu.memref_slice %arg8[%run_scoped3A_105, %dma_wait3A_126, %dma_wait3A_127] : memref<6x48x128xf32, #tpu.memory_space<vmem>> -> memref<1x48x128xf32, #tpu.memory_space<vmem>>
        %dma_wait3A_129 = tpu.memref_squeeze %dma_wait3A_128 : memref<1x48x128xf32, #tpu.memory_space<vmem>> -> memref<48x128xf32, #tpu.memory_space<vmem>>
        tpu.wait_dma2 semaphore(%run_scoped3A_106 : memref<!tpu.dma_semaphore, #tpu.memory_space<semaphore_mem>>) src(%dma_wait3A_129 : memref<48x128xf32, #tpu.memory_space<vmem>>) dst(%dma_wait3A_125 : memref<48x128xf32, #tpu.memory_space<vmem_shared>>)
        tpu.yield
      }) : () -> ()
    }
    %scan3A_14 = arith.constant 13 : i32
    %add3A_15 = arith.constant 624 : i32
    %add3A_16 = arith.addi %mul3A_2, %add3A_15 : i32
    %run_scoped3A = arith.constant 0 : i32
    "tpu.region"() ({
      %run_scoped3A_101 = tpu.sem_alloc : memref<!tpu.dma_semaphore, #tpu.memory_space<semaphore_mem>>
      %dma_start3A = arith.constant 0 : i32
      %dma_start3A_102 = arith.constant 0 : i32
      %dma_start3A_103 = tpu.memref_slice %arg8[%run_scoped3A, %dma_start3A, %dma_start3A_102] : memref<6x48x128xf32, #tpu.memory_space<vmem>> -> memref<1x48x128xf32, #tpu.memory_space<vmem>>
      %dma_start3A_104 = tpu.memref_squeeze %dma_start3A_103 : memref<1x48x128xf32, #tpu.memory_space<vmem>> -> memref<48x128xf32, #tpu.memory_space<vmem>>
      %dma_start3A_105 = arith.constant 0 : i32
      %dma_start3A_106 = arith.constant 0 : i32
      %dma_start3A_107 = tpu.memref_slice %dma_start3A_104[%dma_start3A_105, %dma_start3A_106] : memref<48x128xf32, #tpu.memory_space<vmem>> -> memref<8x128xf32, #tpu.memory_space<vmem>>
      %dma_start3A_108 = arith.constant 0 : i32
      %dma_start3A_109 = tpu.memref_slice %arg9[%add3A_16, %dma_start3A_108] : memref<10112x128xf32, #tpu.memory_space<vmem_shared>> -> memref<8x128xf32, #tpu.memory_space<vmem_shared>>
      %dma_start3A_110 = arith.constant 0 : i32
      %dma_start3A_111 = tpu.memref_slice %arg9[%add3A_16, %dma_start3A_110] : memref<10112x128xf32, #tpu.memory_space<vmem_shared>> -> memref<8x128xf32, #tpu.memory_space<vmem_shared>>
      %dma_start3A_112 = arith.constant 0 : i32
      %dma_start3A_113 = arith.constant 0 : i32
      %dma_start3A_114 = tpu.memref_slice %arg8[%run_scoped3A, %dma_start3A_112, %dma_start3A_113] : memref<6x48x128xf32, #tpu.memory_space<vmem>> -> memref<1x48x128xf32, #tpu.memory_space<vmem>>
      %dma_start3A_115 = tpu.memref_squeeze %dma_start3A_114 : memref<1x48x128xf32, #tpu.memory_space<vmem>> -> memref<48x128xf32, #tpu.memory_space<vmem>>
      %dma_start3A_116 = arith.constant 0 : i32
      %dma_start3A_117 = arith.constant 0 : i32
      %dma_start3A_118 = tpu.memref_slice %dma_start3A_115[%dma_start3A_116, %dma_start3A_117] : memref<48x128xf32, #tpu.memory_space<vmem>> -> memref<8x128xf32, #tpu.memory_space<vmem>>
      tpu.enqueue_dma source(%dma_start3A_118 : memref<8x128xf32, #tpu.memory_space<vmem>>) target(%dma_start3A_111 : memref<8x128xf32, #tpu.memory_space<vmem_shared>>) target_semaphore(%run_scoped3A_101 : memref<!tpu.dma_semaphore, #tpu.memory_space<semaphore_mem>>)
      %dma_wait3A_119 = arith.constant 0 : i32
      %dma_wait3A_120 = arith.constant 0 : i32
      %dma_wait3A_121 = tpu.memref_slice %arg8[%run_scoped3A, %dma_wait3A_119, %dma_wait3A_120] : memref<6x48x128xf32, #tpu.memory_space<vmem>> -> memref<1x48x128xf32, #tpu.memory_space<vmem>>
      %dma_wait3A_122 = tpu.memref_squeeze %dma_wait3A_121 : memref<1x48x128xf32, #tpu.memory_space<vmem>> -> memref<48x128xf32, #tpu.memory_space<vmem>>
      %dma_wait3A_123 = arith.constant 0 : i32
      %dma_wait3A_124 = arith.constant 0 : i32
      %dma_wait3A_125 = tpu.memref_slice %dma_wait3A_122[%dma_wait3A_123, %dma_wait3A_124] : memref<48x128xf32, #tpu.memory_space<vmem>> -> memref<8x128xf32, #tpu.memory_space<vmem>>
      %dma_wait3A_126 = arith.constant 0 : i32
      %dma_wait3A_127 = tpu.memref_slice %arg9[%add3A_16, %dma_wait3A_126] : memref<10112x128xf32, #tpu.memory_space<vmem_shared>> -> memref<8x128xf32, #tpu.memory_space<vmem_shared>>
      %dma_wait3A_128 = arith.constant 0 : i32
      %dma_wait3A_129 = tpu.memref_slice %arg9[%add3A_16, %dma_wait3A_128] : memref<10112x128xf32, #tpu.memory_space<vmem_shared>> -> memref<8x128xf32, #tpu.memory_space<vmem_shared>>
      %dma_wait3A_130 = arith.constant 0 : i32
      %dma_wait3A_131 = arith.constant 0 : i32
      %dma_wait3A_132 = tpu.memref_slice %arg8[%run_scoped3A, %dma_wait3A_130, %dma_wait3A_131] : memref<6x48x128xf32, #tpu.memory_space<vmem>> -> memref<1x48x128xf32, #tpu.memory_space<vmem>>
      %dma_wait3A_133 = tpu.memref_squeeze %dma_wait3A_132 : memref<1x48x128xf32, #tpu.memory_space<vmem>> -> memref<48x128xf32, #tpu.memory_space<vmem>>
      %dma_wait3A_134 = arith.constant 0 : i32
      %dma_wait3A_135 = arith.constant 0 : i32
      %dma_wait3A_136 = tpu.memref_slice %dma_wait3A_133[%dma_wait3A_134, %dma_wait3A_135] : memref<48x128xf32, #tpu.memory_space<vmem>> -> memref<8x128xf32, #tpu.memory_space<vmem>>
      tpu.wait_dma2 semaphore(%run_scoped3A_101 : memref<!tpu.dma_semaphore, #tpu.memory_space<semaphore_mem>>) src(%dma_wait3A_136 : memref<8x128xf32, #tpu.memory_space<vmem>>) dst(%dma_wait3A_129 : memref<8x128xf32, #tpu.memory_space<vmem_shared>>)
      tpu.yield
    }) : () -> ()
    %barrier3A = arith.constant 0 : index
    tpu.barrier barrier_id(%barrier3A)
    %scan3A_17 = arith.constant 0 : i32
    %scan3A_18 = arith.constant 0 : i32
    %scan3A_19 = arith.constant 35 : i32
    %scan3A_20 = arith.addi %scan3A_18, %scan3A_19 : i32
    %scan3A_21 = arith.constant 1 : i32
    scf.for %scan3A_101 = %scan3A_18 to %scan3A_20 step %scan3A_21  : i32 {
      %mul3A_102 = arith.constant 6 : i32
      %mul3A_103 = arith.muli %mul3A_102, %scan3A_101 : i32
      %jit3A = arith.constant 5 : i32
      %div3A = arith.divsi %scan3A_101, %jit3A : i32
      %sign3A = arith.constant 0 : i32
      %sign3A_104 = arith.cmpi sgt, %scan3A_101, %sign3A : i32
      %sign3A_105 = arith.extui %sign3A_104 : i1 to i32
      %sign3A_106 = arith.constant 0 : i32
      %sign3A_107 = arith.cmpi slt, %scan3A_101, %sign3A_106 : i32
      %sign3A_108 = arith.extui %sign3A_107 : i1 to i32
      %sign3A_109 = arith.subi %sign3A_105, %sign3A_108 : i32
      %sign3A_110 = arith.constant 0 : i32
      %sign3A_111 = arith.cmpi sgt, %jit3A, %sign3A_110 : i32
      %sign3A_112 = arith.extui %sign3A_111 : i1 to i32
      %sign3A_113 = arith.constant 0 : i32
      %sign3A_114 = arith.cmpi slt, %jit3A, %sign3A_113 : i32
      %sign3A_115 = arith.extui %sign3A_114 : i1 to i32
      %sign3A_116 = arith.subi %sign3A_112, %sign3A_115 : i32
      %ne3A = arith.cmpi ne, %sign3A_109, %sign3A_116 : i32
      %rem3A = arith.remsi %scan3A_101, %jit3A : i32
      %ne3A_117 = arith.constant 0 : i32
      %ne3A_118 = arith.cmpi ne, %rem3A, %ne3A_117 : i32
      %and3A = arith.andi %ne3A, %ne3A_118 : i1
      %sub3A = arith.constant 1 : i32
      %sub3A_119 = arith.subi %div3A, %sub3A : i32
      %select_n3A = arith.select %and3A, %sub3A_119, %div3A : i32
      %jit3A_120 = arith.constant 2 : i32
      %eq3A = arith.constant 0 : i32
      %eq3A_121 = arith.cmpi eq, %jit3A_120, %eq3A : i32
      %jit3A_122 = arith.constant 1 : i32
      %select_n3A_123 = arith.select %eq3A_121, %jit3A_122, %jit3A_120 : i32
      %rem3A_124 = arith.remsi %select_n3A, %select_n3A_123 : i32
      %ne3A_125 = arith.constant 0 : i32
      %ne3A_126 = arith.cmpi ne, %rem3A_124, %ne3A_125 : i32
      %lt3A = arith.constant 0 : i32
      %lt3A_127 = arith.cmpi slt, %rem3A_124, %lt3A : i32
      %lt3A_128 = arith.constant 0 : i32
      %lt3A_129 = arith.cmpi slt, %select_n3A_123, %lt3A_128 : i32
      %ne3A_130 = arith.xori %lt3A_127, %lt3A_129 : i1
      %and3A_131 = arith.andi %ne3A_130, %ne3A_126 : i1
      %add3A_132 = arith.addi %rem3A_124, %select_n3A_123 : i32
      %select_n3A_133 = arith.select %and3A_131, %add3A_132, %rem3A_124 : i32
      %mul3A_134 = arith.constant 30 : i32
      %mul3A_135 = arith.muli %select_n3A, %mul3A_134 : i32
      %sub3A_136 = arith.subi %mul3A_103, %mul3A_135 : i32
      %gt3A = arith.constant 0 : i32
      %gt3A_137 = arith.cmpi sgt, %scan3A_101, %gt3A : i32
      %convert_element_type3A = arith.extui %gt3A_137 : i1 to i32
      %cond3A = arith.constant 0 : i32
      %cond3A_138 = arith.cmpi ne, %convert_element_type3A, %cond3A : i32
      scf.if %cond3A_138 {
        %dma_wait3A_382 = arith.constant 0 : i32
        %dma_wait3A_383 = arith.constant 0 : i32
        %dma_wait3A_384 = arith.constant 0 : i32
        %dma_wait3A_385 = arith.constant 0 : i32
        %dma_wait3A_386 = arith.constant 0 : i32
        %dma_wait3A_387 = tpu.memref_slice %arg8[%dma_wait3A_382, %dma_wait3A_385, %dma_wait3A_386] : memref<6x48x128xf32, #tpu.memory_space<vmem>> -> memref<1x48x128xf32, #tpu.memory_space<vmem>>
        %dma_wait3A_388 = tpu.memref_squeeze %dma_wait3A_387 : memref<1x48x128xf32, #tpu.memory_space<vmem>> -> memref<48x128xf32, #tpu.memory_space<vmem>>
        %dma_wait3A_389 = arith.constant 0 : i32
        %dma_wait3A_390 = tpu.memref_slice %arg7[%dma_wait3A_383, %dma_wait3A_384, %dma_wait3A_389] : memref<2x30x48xi32, #tpu.memory_space<vmem>> -> memref<1x1x48xi32, #tpu.memory_space<vmem>>
        %dma_wait3A_391 = tpu.memref_squeeze %dma_wait3A_390 : memref<1x1x48xi32, #tpu.memory_space<vmem>> -> memref<48xi32, #tpu.memory_space<vmem>>
        %dma_wait3A_392 = arith.constant 0 : i32
        %dma_wait3A_393 = arith.constant 0 : i32
        %dma_wait3A_394 = tpu.memref_slice %arg9[%dma_wait3A_392, %dma_wait3A_393] : memref<10112x128xf32, #tpu.memory_space<vmem_shared>> -> memref<10112x128xf32, #tpu.memory_space<vmem_shared>>
        tpu.wait_indirect_dma semaphore(%arg16 : memref<!tpu.dma_semaphore, #tpu.memory_space<semaphore_mem>>) src(%dma_wait3A_388 : memref<48x128xf32, #tpu.memory_space<vmem>>) dst(%dma_wait3A_394 : memref<10112x128xf32, #tpu.memory_space<vmem_shared>>)
        %dma_wait3A_395 = arith.constant 1 : i32
        %dma_wait3A_396 = arith.constant 0 : i32
        %dma_wait3A_397 = arith.constant 0 : i32
        %dma_wait3A_398 = arith.constant 0 : i32
        %dma_wait3A_399 = arith.constant 0 : i32
        %dma_wait3A_400 = tpu.memref_slice %arg8[%dma_wait3A_395, %dma_wait3A_398, %dma_wait3A_399] : memref<6x48x128xf32, #tpu.memory_space<vmem>> -> memref<1x48x128xf32, #tpu.memory_space<vmem>>
        %dma_wait3A_401 = tpu.memref_squeeze %dma_wait3A_400 : memref<1x48x128xf32, #tpu.memory_space<vmem>> -> memref<48x128xf32, #tpu.memory_space<vmem>>
        %dma_wait3A_402 = arith.constant 0 : i32
        %dma_wait3A_403 = tpu.memref_slice %arg7[%dma_wait3A_396, %dma_wait3A_397, %dma_wait3A_402] : memref<2x30x48xi32, #tpu.memory_space<vmem>> -> memref<1x1x48xi32, #tpu.memory_space<vmem>>
        %dma_wait3A_404 = tpu.memref_squeeze %dma_wait3A_403 : memref<1x1x48xi32, #tpu.memory_space<vmem>> -> memref<48xi32, #tpu.memory_space<vmem>>
        %dma_wait3A_405 = arith.constant 0 : i32
        %dma_wait3A_406 = arith.constant 0 : i32
        %dma_wait3A_407 = tpu.memref_slice %arg9[%dma_wait3A_405, %dma_wait3A_406] : memref<10112x128xf32, #tpu.memory_space<vmem_shared>> -> memref<10112x128xf32, #tpu.memory_space<vmem_shared>>
        tpu.wait_indirect_dma semaphore(%arg17 : memref<!tpu.dma_semaphore, #tpu.memory_space<semaphore_mem>>) src(%dma_wait3A_401 : memref<48x128xf32, #tpu.memory_space<vmem>>) dst(%dma_wait3A_407 : memref<10112x128xf32, #tpu.memory_space<vmem_shared>>)
        %dma_wait3A_408 = arith.constant 2 : i32
        %dma_wait3A_409 = arith.constant 0 : i32
        %dma_wait3A_410 = arith.constant 0 : i32
        %dma_wait3A_411 = arith.constant 0 : i32
        %dma_wait3A_412 = arith.constant 0 : i32
        %dma_wait3A_413 = tpu.memref_slice %arg8[%dma_wait3A_408, %dma_wait3A_411, %dma_wait3A_412] : memref<6x48x128xf32, #tpu.memory_space<vmem>> -> memref<1x48x128xf32, #tpu.memory_space<vmem>>
        %dma_wait3A_414 = tpu.memref_squeeze %dma_wait3A_413 : memref<1x48x128xf32, #tpu.memory_space<vmem>> -> memref<48x128xf32, #tpu.memory_space<vmem>>
        %dma_wait3A_415 = arith.constant 0 : i32
        %dma_wait3A_416 = tpu.memref_slice %arg7[%dma_wait3A_409, %dma_wait3A_410, %dma_wait3A_415] : memref<2x30x48xi32, #tpu.memory_space<vmem>> -> memref<1x1x48xi32, #tpu.memory_space<vmem>>
        %dma_wait3A_417 = tpu.memref_squeeze %dma_wait3A_416 : memref<1x1x48xi32, #tpu.memory_space<vmem>> -> memref<48xi32, #tpu.memory_space<vmem>>
        %dma_wait3A_418 = arith.constant 0 : i32
        %dma_wait3A_419 = arith.constant 0 : i32
        %dma_wait3A_420 = tpu.memref_slice %arg9[%dma_wait3A_418, %dma_wait3A_419] : memref<10112x128xf32, #tpu.memory_space<vmem_shared>> -> memref<10112x128xf32, #tpu.memory_space<vmem_shared>>
        tpu.wait_indirect_dma semaphore(%arg18 : memref<!tpu.dma_semaphore, #tpu.memory_space<semaphore_mem>>) src(%dma_wait3A_414 : memref<48x128xf32, #tpu.memory_space<vmem>>) dst(%dma_wait3A_420 : memref<10112x128xf32, #tpu.memory_space<vmem_shared>>)
      } else {
      }
      %eq3A_139 = arith.constant 0 : i32
      %eq3A_140 = arith.cmpi eq, %sub3A_136, %eq3A_139 : i32
      %convert_element_type3A_141 = arith.extui %eq3A_140 : i1 to i32
      %cond3A_142 = arith.constant 0 : i32
      %cond3A_143 = arith.cmpi ne, %convert_element_type3A_141, %cond3A_142 : i32
      scf.if %cond3A_143 {
        "tpu.region"() ({
          %run_scoped3A_382 = tpu.sem_alloc : memref<!tpu.dma_semaphore, #tpu.memory_space<semaphore_mem>>
          %dma_start3A_383 = arith.constant 0 : i32
          %dma_start3A_384 = arith.constant 0 : i32
          %dma_start3A_385 = tpu.memref_slice %arg3[%add3A, %select_n3A, %dma_start3A_383, %dma_start3A_384] : memref<32x7x30x48xi32, #tpu.memory_space<hbm>> -> memref<1x1x30x48xi32, #tpu.memory_space<hbm>>
          %dma_start3A_386 = tpu.memref_squeeze %dma_start3A_385 : memref<1x1x30x48xi32, #tpu.memory_space<hbm>> -> memref<30x48xi32, #tpu.memory_space<hbm>>
          %dma_start3A_387 = arith.constant 0 : i32
          %dma_start3A_388 = arith.constant 0 : i32
          %dma_start3A_389 = tpu.memref_slice %arg3[%add3A, %select_n3A, %dma_start3A_387, %dma_start3A_388] : memref<32x7x30x48xi32, #tpu.memory_space<hbm>> -> memref<1x1x30x48xi32, #tpu.memory_space<hbm>>
          %dma_start3A_390 = tpu.memref_squeeze %dma_start3A_389 : memref<1x1x30x48xi32, #tpu.memory_space<hbm>> -> memref<30x48xi32, #tpu.memory_space<hbm>>
          tpu.enqueue_dma source(%dma_start3A_390 : memref<30x48xi32, #tpu.memory_space<hbm>>) target(%arg6 : memref<30x48xi32, #tpu.memory_space<vmem>>) target_semaphore(%run_scoped3A_382 : memref<!tpu.dma_semaphore, #tpu.memory_space<semaphore_mem>>)
          %dma_wait3A_391 = arith.constant 0 : i32
          %dma_wait3A_392 = arith.constant 0 : i32
          %dma_wait3A_393 = tpu.memref_slice %arg3[%add3A, %select_n3A, %dma_wait3A_391, %dma_wait3A_392] : memref<32x7x30x48xi32, #tpu.memory_space<hbm>> -> memref<1x1x30x48xi32, #tpu.memory_space<hbm>>
          %dma_wait3A_394 = tpu.memref_squeeze %dma_wait3A_393 : memref<1x1x30x48xi32, #tpu.memory_space<hbm>> -> memref<30x48xi32, #tpu.memory_space<hbm>>
          %dma_wait3A_395 = arith.constant 0 : i32
          %dma_wait3A_396 = arith.constant 0 : i32
          %dma_wait3A_397 = tpu.memref_slice %arg3[%add3A, %select_n3A, %dma_wait3A_395, %dma_wait3A_396] : memref<32x7x30x48xi32, #tpu.memory_space<hbm>> -> memref<1x1x30x48xi32, #tpu.memory_space<hbm>>
          %dma_wait3A_398 = tpu.memref_squeeze %dma_wait3A_397 : memref<1x1x30x48xi32, #tpu.memory_space<hbm>> -> memref<30x48xi32, #tpu.memory_space<hbm>>
          tpu.wait_dma2 semaphore(%run_scoped3A_382 : memref<!tpu.dma_semaphore, #tpu.memory_space<semaphore_mem>>) src(%dma_wait3A_398 : memref<30x48xi32, #tpu.memory_space<hbm>>) dst(%arg6 : memref<30x48xi32, #tpu.memory_space<vmem>>)
          tpu.yield
        }) : () -> ()
        "tpu.region"() ({
          %run_scoped3A_382 = tpu.sem_alloc : memref<!tpu.dma_semaphore, #tpu.memory_space<semaphore_mem>>
          %dma_start3A_383 = arith.constant 0 : i32
          %dma_start3A_384 = arith.constant 0 : i32
          %dma_start3A_385 = tpu.memref_slice %arg7[%select_n3A_133, %dma_start3A_383, %dma_start3A_384] : memref<2x30x48xi32, #tpu.memory_space<vmem>> -> memref<1x30x48xi32, #tpu.memory_space<vmem>>
          %dma_start3A_386 = tpu.memref_squeeze %dma_start3A_385 : memref<1x30x48xi32, #tpu.memory_space<vmem>> -> memref<30x48xi32, #tpu.memory_space<vmem>>
          %dma_start3A_387 = arith.constant 0 : i32
          %dma_start3A_388 = arith.constant 0 : i32
          %dma_start3A_389 = tpu.memref_slice %arg4[%add3A, %select_n3A, %dma_start3A_387, %dma_start3A_388] : memref<32x7x30x48xi32, #tpu.memory_space<hbm>> -> memref<1x1x30x48xi32, #tpu.memory_space<hbm>>
          %dma_start3A_390 = tpu.memref_squeeze %dma_start3A_389 : memref<1x1x30x48xi32, #tpu.memory_space<hbm>> -> memref<30x48xi32, #tpu.memory_space<hbm>>
          %dma_start3A_391 = arith.constant 0 : i32
          %dma_start3A_392 = arith.constant 0 : i32
          %dma_start3A_393 = tpu.memref_slice %arg7[%select_n3A_133, %dma_start3A_391, %dma_start3A_392] : memref<2x30x48xi32, #tpu.memory_space<vmem>> -> memref<1x30x48xi32, #tpu.memory_space<vmem>>
          %dma_start3A_394 = tpu.memref_squeeze %dma_start3A_393 : memref<1x30x48xi32, #tpu.memory_space<vmem>> -> memref<30x48xi32, #tpu.memory_space<vmem>>
          %dma_start3A_395 = arith.constant 0 : i32
          %dma_start3A_396 = arith.constant 0 : i32
          %dma_start3A_397 = tpu.memref_slice %arg4[%add3A, %select_n3A, %dma_start3A_395, %dma_start3A_396] : memref<32x7x30x48xi32, #tpu.memory_space<hbm>> -> memref<1x1x30x48xi32, #tpu.memory_space<hbm>>
          %dma_start3A_398 = tpu.memref_squeeze %dma_start3A_397 : memref<1x1x30x48xi32, #tpu.memory_space<hbm>> -> memref<30x48xi32, #tpu.memory_space<hbm>>
          tpu.enqueue_dma source(%dma_start3A_398 : memref<30x48xi32, #tpu.memory_space<hbm>>) target(%dma_start3A_394 : memref<30x48xi32, #tpu.memory_space<vmem>>) target_semaphore(%run_scoped3A_382 : memref<!tpu.dma_semaphore, #tpu.memory_space<semaphore_mem>>)
          %dma_wait3A_399 = arith.constant 0 : i32
          %dma_wait3A_400 = arith.constant 0 : i32
          %dma_wait3A_401 = tpu.memref_slice %arg7[%select_n3A_133, %dma_wait3A_399, %dma_wait3A_400] : memref<2x30x48xi32, #tpu.memory_space<vmem>> -> memref<1x30x48xi32, #tpu.memory_space<vmem>>
          %dma_wait3A_402 = tpu.memref_squeeze %dma_wait3A_401 : memref<1x30x48xi32, #tpu.memory_space<vmem>> -> memref<30x48xi32, #tpu.memory_space<vmem>>
          %dma_wait3A_403 = arith.constant 0 : i32
          %dma_wait3A_404 = arith.constant 0 : i32
          %dma_wait3A_405 = tpu.memref_slice %arg4[%add3A, %select_n3A, %dma_wait3A_403, %dma_wait3A_404] : memref<32x7x30x48xi32, #tpu.memory_space<hbm>> -> memref<1x1x30x48xi32, #tpu.memory_space<hbm>>
          %dma_wait3A_406 = tpu.memref_squeeze %dma_wait3A_405 : memref<1x1x30x48xi32, #tpu.memory_space<hbm>> -> memref<30x48xi32, #tpu.memory_space<hbm>>
          %dma_wait3A_407 = arith.constant 0 : i32
          %dma_wait3A_408 = arith.constant 0 : i32
          %dma_wait3A_409 = tpu.memref_slice %arg7[%select_n3A_133, %dma_wait3A_407, %dma_wait3A_408] : memref<2x30x48xi32, #tpu.memory_space<vmem>> -> memref<1x30x48xi32, #tpu.memory_space<vmem>>
          %dma_wait3A_410 = tpu.memref_squeeze %dma_wait3A_409 : memref<1x30x48xi32, #tpu.memory_space<vmem>> -> memref<30x48xi32, #tpu.memory_space<vmem>>
          %dma_wait3A_411 = arith.constant 0 : i32
          %dma_wait3A_412 = arith.constant 0 : i32
          %dma_wait3A_413 = tpu.memref_slice %arg4[%add3A, %select_n3A, %dma_wait3A_411, %dma_wait3A_412] : memref<32x7x30x48xi32, #tpu.memory_space<hbm>> -> memref<1x1x30x48xi32, #tpu.memory_space<hbm>>
          %dma_wait3A_414 = tpu.memref_squeeze %dma_wait3A_413 : memref<1x1x30x48xi32, #tpu.memory_space<hbm>> -> memref<30x48xi32, #tpu.memory_space<hbm>>
          tpu.wait_dma2 semaphore(%run_scoped3A_382 : memref<!tpu.dma_semaphore, #tpu.memory_space<semaphore_mem>>) src(%dma_wait3A_414 : memref<30x48xi32, #tpu.memory_space<hbm>>) dst(%dma_wait3A_410 : memref<30x48xi32, #tpu.memory_space<vmem>>)
          tpu.yield
        }) : () -> ()
      } else {
      }
      %add3A_144 = arith.constant 0 : i32
      %add3A_145 = arith.addi %sub3A_136, %add3A_144 : i32
      %dma_start3A = arith.constant 0 : i32
      %dma_start3A_146 = arith.constant 0 : i32
      %dma_start3A_147 = arith.constant 0 : i32
      %dma_start3A_148 = tpu.memref_slice %arg8[%dma_start3A, %dma_start3A_146, %dma_start3A_147] : memref<6x48x128xf32, #tpu.memory_space<vmem>> -> memref<1x48x128xf32, #tpu.memory_space<vmem>>
      %dma_start3A_149 = tpu.memref_squeeze %dma_start3A_148 : memref<1x48x128xf32, #tpu.memory_space<vmem>> -> memref<48x128xf32, #tpu.memory_space<vmem>>
      %dma_start3A_150 = arith.constant 0 : i32
      %dma_start3A_151 = tpu.memref_slice %arg6[%add3A_145, %dma_start3A_150] : memref<30x48xi32, #tpu.memory_space<vmem>> -> memref<1x48xi32, #tpu.memory_space<vmem>>
      %dma_start3A_152 = tpu.memref_squeeze %dma_start3A_151 : memref<1x48xi32, #tpu.memory_space<vmem>> -> memref<48xi32, #tpu.memory_space<vmem>>
      %dma_start3A_153 = arith.constant 0 : i32
      %dma_start3A_154 = arith.constant 0 : i32
      %dma_start3A_155 = tpu.memref_slice %arg2[%dma_start3A_153, %dma_start3A_154] : memref<270000x128xf32, #tpu.memory_space<hbm>> -> memref<270000x128xf32, #tpu.memory_space<hbm>>
      tpu.enqueue_indirect_dma source(%dma_start3A_155 : memref<270000x128xf32, #tpu.memory_space<hbm>>) target(%dma_start3A_149 : memref<48x128xf32, #tpu.memory_space<vmem>>) offsets(%dma_start3A_152 : memref<48xi32, #tpu.memory_space<vmem>>) semaphore(%arg10 : memref<!tpu.dma_semaphore, #tpu.memory_space<semaphore_mem>>)
      %add3A_156 = arith.constant 1 : i32
      %add3A_157 = arith.addi %sub3A_136, %add3A_156 : i32
      %dma_start3A_158 = arith.constant 1 : i32
      %dma_start3A_159 = arith.constant 0 : i32
      %dma_start3A_160 = arith.constant 0 : i32
      %dma_start3A_161 = tpu.memref_slice %arg8[%dma_start3A_158, %dma_start3A_159, %dma_start3A_160] : memref<6x48x128xf32, #tpu.memory_space<vmem>> -> memref<1x48x128xf32, #tpu.memory_space<vmem>>
      %dma_start3A_162 = tpu.memref_squeeze %dma_start3A_161 : memref<1x48x128xf32, #tpu.memory_space<vmem>> -> memref<48x128xf32, #tpu.memory_space<vmem>>
      %dma_start3A_163 = arith.constant 0 : i32
      %dma_start3A_164 = tpu.memref_slice %arg6[%add3A_157, %dma_start3A_163] : memref<30x48xi32, #tpu.memory_space<vmem>> -> memref<1x48xi32, #tpu.memory_space<vmem>>
      %dma_start3A_165 = tpu.memref_squeeze %dma_start3A_164 : memref<1x48xi32, #tpu.memory_space<vmem>> -> memref<48xi32, #tpu.memory_space<vmem>>
      %dma_start3A_166 = arith.constant 0 : i32
      %dma_start3A_167 = arith.constant 0 : i32
      %dma_start3A_168 = tpu.memref_slice %arg2[%dma_start3A_166, %dma_start3A_167] : memref<270000x128xf32, #tpu.memory_space<hbm>> -> memref<270000x128xf32, #tpu.memory_space<hbm>>
      tpu.enqueue_indirect_dma source(%dma_start3A_168 : memref<270000x128xf32, #tpu.memory_space<hbm>>) target(%dma_start3A_162 : memref<48x128xf32, #tpu.memory_space<vmem>>) offsets(%dma_start3A_165 : memref<48xi32, #tpu.memory_space<vmem>>) semaphore(%arg11 : memref<!tpu.dma_semaphore, #tpu.memory_space<semaphore_mem>>)
      %add3A_169 = arith.constant 2 : i32
      %add3A_170 = arith.addi %sub3A_136, %add3A_169 : i32
      %dma_start3A_171 = arith.constant 2 : i32
      %dma_start3A_172 = arith.constant 0 : i32
      %dma_start3A_173 = arith.constant 0 : i32
      %dma_start3A_174 = tpu.memref_slice %arg8[%dma_start3A_171, %dma_start3A_172, %dma_start3A_173] : memref<6x48x128xf32, #tpu.memory_space<vmem>> -> memref<1x48x128xf32, #tpu.memory_space<vmem>>
      %dma_start3A_175 = tpu.memref_squeeze %dma_start3A_174 : memref<1x48x128xf32, #tpu.memory_space<vmem>> -> memref<48x128xf32, #tpu.memory_space<vmem>>
      %dma_start3A_176 = arith.constant 0 : i32
      %dma_start3A_177 = tpu.memref_slice %arg6[%add3A_170, %dma_start3A_176] : memref<30x48xi32, #tpu.memory_space<vmem>> -> memref<1x48xi32, #tpu.memory_space<vmem>>
      %dma_start3A_178 = tpu.memref_squeeze %dma_start3A_177 : memref<1x48xi32, #tpu.memory_space<vmem>> -> memref<48xi32, #tpu.memory_space<vmem>>
      %dma_start3A_179 = arith.constant 0 : i32
      %dma_start3A_180 = arith.constant 0 : i32
      %dma_start3A_181 = tpu.memref_slice %arg2[%dma_start3A_179, %dma_start3A_180] : memref<270000x128xf32, #tpu.memory_space<hbm>> -> memref<270000x128xf32, #tpu.memory_space<hbm>>
      tpu.enqueue_indirect_dma source(%dma_start3A_181 : memref<270000x128xf32, #tpu.memory_space<hbm>>) target(%dma_start3A_175 : memref<48x128xf32, #tpu.memory_space<vmem>>) offsets(%dma_start3A_178 : memref<48xi32, #tpu.memory_space<vmem>>) semaphore(%arg12 : memref<!tpu.dma_semaphore, #tpu.memory_space<semaphore_mem>>)
      %gt3A_182 = arith.constant 0 : i32
      %gt3A_183 = arith.cmpi sgt, %scan3A_101, %gt3A_182 : i32
      %convert_element_type3A_184 = arith.extui %gt3A_183 : i1 to i32
      %cond3A_185 = arith.constant 0 : i32
      %cond3A_186 = arith.cmpi ne, %convert_element_type3A_184, %cond3A_185 : i32
      scf.if %cond3A_186 {
        %dma_wait3A_382 = arith.constant 3 : i32
        %dma_wait3A_383 = arith.constant 0 : i32
        %dma_wait3A_384 = arith.constant 0 : i32
        %dma_wait3A_385 = arith.constant 0 : i32
        %dma_wait3A_386 = arith.constant 0 : i32
        %dma_wait3A_387 = tpu.memref_slice %arg8[%dma_wait3A_382, %dma_wait3A_385, %dma_wait3A_386] : memref<6x48x128xf32, #tpu.memory_space<vmem>> -> memref<1x48x128xf32, #tpu.memory_space<vmem>>
        %dma_wait3A_388 = tpu.memref_squeeze %dma_wait3A_387 : memref<1x48x128xf32, #tpu.memory_space<vmem>> -> memref<48x128xf32, #tpu.memory_space<vmem>>
        %dma_wait3A_389 = arith.constant 0 : i32
        %dma_wait3A_390 = tpu.memref_slice %arg7[%dma_wait3A_383, %dma_wait3A_384, %dma_wait3A_389] : memref<2x30x48xi32, #tpu.memory_space<vmem>> -> memref<1x1x48xi32, #tpu.memory_space<vmem>>
        %dma_wait3A_391 = tpu.memref_squeeze %dma_wait3A_390 : memref<1x1x48xi32, #tpu.memory_space<vmem>> -> memref<48xi32, #tpu.memory_space<vmem>>
        %dma_wait3A_392 = arith.constant 0 : i32
        %dma_wait3A_393 = arith.constant 0 : i32
        %dma_wait3A_394 = tpu.memref_slice %arg9[%dma_wait3A_392, %dma_wait3A_393] : memref<10112x128xf32, #tpu.memory_space<vmem_shared>> -> memref<10112x128xf32, #tpu.memory_space<vmem_shared>>
        tpu.wait_indirect_dma semaphore(%arg19 : memref<!tpu.dma_semaphore, #tpu.memory_space<semaphore_mem>>) src(%dma_wait3A_388 : memref<48x128xf32, #tpu.memory_space<vmem>>) dst(%dma_wait3A_394 : memref<10112x128xf32, #tpu.memory_space<vmem_shared>>)
        %dma_wait3A_395 = arith.constant 4 : i32
        %dma_wait3A_396 = arith.constant 0 : i32
        %dma_wait3A_397 = arith.constant 0 : i32
        %dma_wait3A_398 = arith.constant 0 : i32
        %dma_wait3A_399 = arith.constant 0 : i32
        %dma_wait3A_400 = tpu.memref_slice %arg8[%dma_wait3A_395, %dma_wait3A_398, %dma_wait3A_399] : memref<6x48x128xf32, #tpu.memory_space<vmem>> -> memref<1x48x128xf32, #tpu.memory_space<vmem>>
        %dma_wait3A_401 = tpu.memref_squeeze %dma_wait3A_400 : memref<1x48x128xf32, #tpu.memory_space<vmem>> -> memref<48x128xf32, #tpu.memory_space<vmem>>
        %dma_wait3A_402 = arith.constant 0 : i32
        %dma_wait3A_403 = tpu.memref_slice %arg7[%dma_wait3A_396, %dma_wait3A_397, %dma_wait3A_402] : memref<2x30x48xi32, #tpu.memory_space<vmem>> -> memref<1x1x48xi32, #tpu.memory_space<vmem>>
        %dma_wait3A_404 = tpu.memref_squeeze %dma_wait3A_403 : memref<1x1x48xi32, #tpu.memory_space<vmem>> -> memref<48xi32, #tpu.memory_space<vmem>>
        %dma_wait3A_405 = arith.constant 0 : i32
        %dma_wait3A_406 = arith.constant 0 : i32
        %dma_wait3A_407 = tpu.memref_slice %arg9[%dma_wait3A_405, %dma_wait3A_406] : memref<10112x128xf32, #tpu.memory_space<vmem_shared>> -> memref<10112x128xf32, #tpu.memory_space<vmem_shared>>
        tpu.wait_indirect_dma semaphore(%arg20 : memref<!tpu.dma_semaphore, #tpu.memory_space<semaphore_mem>>) src(%dma_wait3A_401 : memref<48x128xf32, #tpu.memory_space<vmem>>) dst(%dma_wait3A_407 : memref<10112x128xf32, #tpu.memory_space<vmem_shared>>)
        %dma_wait3A_408 = arith.constant 5 : i32
        %dma_wait3A_409 = arith.constant 0 : i32
        %dma_wait3A_410 = arith.constant 0 : i32
        %dma_wait3A_411 = arith.constant 0 : i32
        %dma_wait3A_412 = arith.constant 0 : i32
        %dma_wait3A_413 = tpu.memref_slice %arg8[%dma_wait3A_408, %dma_wait3A_411, %dma_wait3A_412] : memref<6x48x128xf32, #tpu.memory_space<vmem>> -> memref<1x48x128xf32, #tpu.memory_space<vmem>>
        %dma_wait3A_414 = tpu.memref_squeeze %dma_wait3A_413 : memref<1x48x128xf32, #tpu.memory_space<vmem>> -> memref<48x128xf32, #tpu.memory_space<vmem>>
        %dma_wait3A_415 = arith.constant 0 : i32
        %dma_wait3A_416 = tpu.memref_slice %arg7[%dma_wait3A_409, %dma_wait3A_410, %dma_wait3A_415] : memref<2x30x48xi32, #tpu.memory_space<vmem>> -> memref<1x1x48xi32, #tpu.memory_space<vmem>>
        %dma_wait3A_417 = tpu.memref_squeeze %dma_wait3A_416 : memref<1x1x48xi32, #tpu.memory_space<vmem>> -> memref<48xi32, #tpu.memory_space<vmem>>
        %dma_wait3A_418 = arith.constant 0 : i32
        %dma_wait3A_419 = arith.constant 0 : i32
        %dma_wait3A_420 = tpu.memref_slice %arg9[%dma_wait3A_418, %dma_wait3A_419] : memref<10112x128xf32, #tpu.memory_space<vmem_shared>> -> memref<10112x128xf32, #tpu.memory_space<vmem_shared>>
        tpu.wait_indirect_dma semaphore(%arg21 : memref<!tpu.dma_semaphore, #tpu.memory_space<semaphore_mem>>) src(%dma_wait3A_414 : memref<48x128xf32, #tpu.memory_space<vmem>>) dst(%dma_wait3A_420 : memref<10112x128xf32, #tpu.memory_space<vmem_shared>>)
      } else {
      }
      %dma_wait3A_187 = arith.constant 0 : i32
      %dma_wait3A_188 = arith.constant 0 : i32
      %dma_wait3A_189 = arith.constant 0 : i32
      %dma_wait3A_190 = tpu.memref_slice %arg8[%dma_wait3A_187, %dma_wait3A_188, %dma_wait3A_189] : memref<6x48x128xf32, #tpu.memory_space<vmem>> -> memref<1x48x128xf32, #tpu.memory_space<vmem>>
      %dma_wait3A_191 = tpu.memref_squeeze %dma_wait3A_190 : memref<1x48x128xf32, #tpu.memory_space<vmem>> -> memref<48x128xf32, #tpu.memory_space<vmem>>
      %dma_wait3A_192 = arith.constant 0 : i32
      %dma_wait3A_193 = tpu.memref_slice %arg6[%add3A_145, %dma_wait3A_192] : memref<30x48xi32, #tpu.memory_space<vmem>> -> memref<1x48xi32, #tpu.memory_space<vmem>>
      %dma_wait3A_194 = tpu.memref_squeeze %dma_wait3A_193 : memref<1x48xi32, #tpu.memory_space<vmem>> -> memref<48xi32, #tpu.memory_space<vmem>>
      %dma_wait3A_195 = arith.constant 0 : i32
      %dma_wait3A_196 = arith.constant 0 : i32
      %dma_wait3A_197 = tpu.memref_slice %arg2[%dma_wait3A_195, %dma_wait3A_196] : memref<270000x128xf32, #tpu.memory_space<hbm>> -> memref<270000x128xf32, #tpu.memory_space<hbm>>
      tpu.wait_indirect_dma semaphore(%arg10 : memref<!tpu.dma_semaphore, #tpu.memory_space<semaphore_mem>>) src(%dma_wait3A_197 : memref<270000x128xf32, #tpu.memory_space<hbm>>) dst(%dma_wait3A_191 : memref<48x128xf32, #tpu.memory_space<vmem>>)
      %add3A_198 = arith.constant 0 : i32
      %add3A_199 = arith.addi %sub3A_136, %add3A_198 : i32
      %dma_start3A_200 = arith.constant 0 : i32
      %dma_start3A_201 = arith.constant 0 : i32
      %dma_start3A_202 = arith.constant 0 : i32
      %dma_start3A_203 = tpu.memref_slice %arg8[%dma_start3A_200, %dma_start3A_201, %dma_start3A_202] : memref<6x48x128xf32, #tpu.memory_space<vmem>> -> memref<1x48x128xf32, #tpu.memory_space<vmem>>
      %dma_start3A_204 = tpu.memref_squeeze %dma_start3A_203 : memref<1x48x128xf32, #tpu.memory_space<vmem>> -> memref<48x128xf32, #tpu.memory_space<vmem>>
      %dma_start3A_205 = arith.constant 0 : i32
      %dma_start3A_206 = tpu.memref_slice %arg7[%select_n3A_133, %add3A_199, %dma_start3A_205] : memref<2x30x48xi32, #tpu.memory_space<vmem>> -> memref<1x1x48xi32, #tpu.memory_space<vmem>>
      %dma_start3A_207 = tpu.memref_squeeze %dma_start3A_206 : memref<1x1x48xi32, #tpu.memory_space<vmem>> -> memref<48xi32, #tpu.memory_space<vmem>>
      %dma_start3A_208 = arith.constant 0 : i32
      %dma_start3A_209 = arith.constant 0 : i32
      %dma_start3A_210 = tpu.memref_slice %arg9[%dma_start3A_208, %dma_start3A_209] : memref<10112x128xf32, #tpu.memory_space<vmem_shared>> -> memref<10112x128xf32, #tpu.memory_space<vmem_shared>>
      tpu.enqueue_indirect_dma source(%dma_start3A_204 : memref<48x128xf32, #tpu.memory_space<vmem>>) target(%dma_start3A_210 : memref<10112x128xf32, #tpu.memory_space<vmem_shared>>) offsets(%dma_start3A_207 : memref<48xi32, #tpu.memory_space<vmem>>) semaphore(%arg16 : memref<!tpu.dma_semaphore, #tpu.memory_space<semaphore_mem>>) {add = true}
      %dma_wait3A_211 = arith.constant 1 : i32
      %dma_wait3A_212 = arith.constant 0 : i32
      %dma_wait3A_213 = arith.constant 0 : i32
      %dma_wait3A_214 = tpu.memref_slice %arg8[%dma_wait3A_211, %dma_wait3A_212, %dma_wait3A_213] : memref<6x48x128xf32, #tpu.memory_space<vmem>> -> memref<1x48x128xf32, #tpu.memory_space<vmem>>
      %dma_wait3A_215 = tpu.memref_squeeze %dma_wait3A_214 : memref<1x48x128xf32, #tpu.memory_space<vmem>> -> memref<48x128xf32, #tpu.memory_space<vmem>>
      %dma_wait3A_216 = arith.constant 0 : i32
      %dma_wait3A_217 = tpu.memref_slice %arg6[%add3A_157, %dma_wait3A_216] : memref<30x48xi32, #tpu.memory_space<vmem>> -> memref<1x48xi32, #tpu.memory_space<vmem>>
      %dma_wait3A_218 = tpu.memref_squeeze %dma_wait3A_217 : memref<1x48xi32, #tpu.memory_space<vmem>> -> memref<48xi32, #tpu.memory_space<vmem>>
      %dma_wait3A_219 = arith.constant 0 : i32
      %dma_wait3A_220 = arith.constant 0 : i32
      %dma_wait3A_221 = tpu.memref_slice %arg2[%dma_wait3A_219, %dma_wait3A_220] : memref<270000x128xf32, #tpu.memory_space<hbm>> -> memref<270000x128xf32, #tpu.memory_space<hbm>>
      tpu.wait_indirect_dma semaphore(%arg11 : memref<!tpu.dma_semaphore, #tpu.memory_space<semaphore_mem>>) src(%dma_wait3A_221 : memref<270000x128xf32, #tpu.memory_space<hbm>>) dst(%dma_wait3A_215 : memref<48x128xf32, #tpu.memory_space<vmem>>)
      %add3A_222 = arith.constant 1 : i32
      %add3A_223 = arith.addi %sub3A_136, %add3A_222 : i32
      %dma_start3A_224 = arith.constant 1 : i32
      %dma_start3A_225 = arith.constant 0 : i32
      %dma_start3A_226 = arith.constant 0 : i32
      %dma_start3A_227 = tpu.memref_slice %arg8[%dma_start3A_224, %dma_start3A_225, %dma_start3A_226] : memref<6x48x128xf32, #tpu.memory_space<vmem>> -> memref<1x48x128xf32, #tpu.memory_space<vmem>>
      %dma_start3A_228 = tpu.memref_squeeze %dma_start3A_227 : memref<1x48x128xf32, #tpu.memory_space<vmem>> -> memref<48x128xf32, #tpu.memory_space<vmem>>
      %dma_start3A_229 = arith.constant 0 : i32
      %dma_start3A_230 = tpu.memref_slice %arg7[%select_n3A_133, %add3A_223, %dma_start3A_229] : memref<2x30x48xi32, #tpu.memory_space<vmem>> -> memref<1x1x48xi32, #tpu.memory_space<vmem>>
      %dma_start3A_231 = tpu.memref_squeeze %dma_start3A_230 : memref<1x1x48xi32, #tpu.memory_space<vmem>> -> memref<48xi32, #tpu.memory_space<vmem>>
      %dma_start3A_232 = arith.constant 0 : i32
      %dma_start3A_233 = arith.constant 0 : i32
      %dma_start3A_234 = tpu.memref_slice %arg9[%dma_start3A_232, %dma_start3A_233] : memref<10112x128xf32, #tpu.memory_space<vmem_shared>> -> memref<10112x128xf32, #tpu.memory_space<vmem_shared>>
      tpu.enqueue_indirect_dma source(%dma_start3A_228 : memref<48x128xf32, #tpu.memory_space<vmem>>) target(%dma_start3A_234 : memref<10112x128xf32, #tpu.memory_space<vmem_shared>>) offsets(%dma_start3A_231 : memref<48xi32, #tpu.memory_space<vmem>>) semaphore(%arg17 : memref<!tpu.dma_semaphore, #tpu.memory_space<semaphore_mem>>) {add = true}
      %dma_wait3A_235 = arith.constant 2 : i32
      %dma_wait3A_236 = arith.constant 0 : i32
      %dma_wait3A_237 = arith.constant 0 : i32
      %dma_wait3A_238 = tpu.memref_slice %arg8[%dma_wait3A_235, %dma_wait3A_236, %dma_wait3A_237] : memref<6x48x128xf32, #tpu.memory_space<vmem>> -> memref<1x48x128xf32, #tpu.memory_space<vmem>>
      %dma_wait3A_239 = tpu.memref_squeeze %dma_wait3A_238 : memref<1x48x128xf32, #tpu.memory_space<vmem>> -> memref<48x128xf32, #tpu.memory_space<vmem>>
      %dma_wait3A_240 = arith.constant 0 : i32
      %dma_wait3A_241 = tpu.memref_slice %arg6[%add3A_170, %dma_wait3A_240] : memref<30x48xi32, #tpu.memory_space<vmem>> -> memref<1x48xi32, #tpu.memory_space<vmem>>
      %dma_wait3A_242 = tpu.memref_squeeze %dma_wait3A_241 : memref<1x48xi32, #tpu.memory_space<vmem>> -> memref<48xi32, #tpu.memory_space<vmem>>
      %dma_wait3A_243 = arith.constant 0 : i32
      %dma_wait3A_244 = arith.constant 0 : i32
      %dma_wait3A_245 = tpu.memref_slice %arg2[%dma_wait3A_243, %dma_wait3A_244] : memref<270000x128xf32, #tpu.memory_space<hbm>> -> memref<270000x128xf32, #tpu.memory_space<hbm>>
      tpu.wait_indirect_dma semaphore(%arg12 : memref<!tpu.dma_semaphore, #tpu.memory_space<semaphore_mem>>) src(%dma_wait3A_245 : memref<270000x128xf32, #tpu.memory_space<hbm>>) dst(%dma_wait3A_239 : memref<48x128xf32, #tpu.memory_space<vmem>>)
      %add3A_246 = arith.constant 2 : i32
      %add3A_247 = arith.addi %sub3A_136, %add3A_246 : i32
      %dma_start3A_248 = arith.constant 2 : i32
      %dma_start3A_249 = arith.constant 0 : i32
      %dma_start3A_250 = arith.constant 0 : i32
      %dma_start3A_251 = tpu.memref_slice %arg8[%dma_start3A_248, %dma_start3A_249, %dma_start3A_250] : memref<6x48x128xf32, #tpu.memory_space<vmem>> -> memref<1x48x128xf32, #tpu.memory_space<vmem>>
      %dma_start3A_252 = tpu.memref_squeeze %dma_start3A_251 : memref<1x48x128xf32, #tpu.memory_space<vmem>> -> memref<48x128xf32, #tpu.memory_space<vmem>>
      %dma_start3A_253 = arith.constant 0 : i32
      %dma_start3A_254 = tpu.memref_slice %arg7[%select_n3A_133, %add3A_247, %dma_start3A_253] : memref<2x30x48xi32, #tpu.memory_space<vmem>> -> memref<1x1x48xi32, #tpu.memory_space<vmem>>
      %dma_start3A_255 = tpu.memref_squeeze %dma_start3A_254 : memref<1x1x48xi32, #tpu.memory_space<vmem>> -> memref<48xi32, #tpu.memory_space<vmem>>
      %dma_start3A_256 = arith.constant 0 : i32
      %dma_start3A_257 = arith.constant 0 : i32
      %dma_start3A_258 = tpu.memref_slice %arg9[%dma_start3A_256, %dma_start3A_257] : memref<10112x128xf32, #tpu.memory_space<vmem_shared>> -> memref<10112x128xf32, #tpu.memory_space<vmem_shared>>
      tpu.enqueue_indirect_dma source(%dma_start3A_252 : memref<48x128xf32, #tpu.memory_space<vmem>>) target(%dma_start3A_258 : memref<10112x128xf32, #tpu.memory_space<vmem_shared>>) offsets(%dma_start3A_255 : memref<48xi32, #tpu.memory_space<vmem>>) semaphore(%arg18 : memref<!tpu.dma_semaphore, #tpu.memory_space<semaphore_mem>>) {add = true}
      %add3A_259 = arith.constant 3 : i32
      %add3A_260 = arith.addi %sub3A_136, %add3A_259 : i32
      %add3A_261 = arith.constant 0 : i32
      %add3A_262 = arith.addi %add3A_260, %add3A_261 : i32
      %dma_start3A_263 = arith.constant 3 : i32
      %dma_start3A_264 = arith.constant 0 : i32
      %dma_start3A_265 = arith.constant 0 : i32
      %dma_start3A_266 = tpu.memref_slice %arg8[%dma_start3A_263, %dma_start3A_264, %dma_start3A_265] : memref<6x48x128xf32, #tpu.memory_space<vmem>> -> memref<1x48x128xf32, #tpu.memory_space<vmem>>
      %dma_start3A_267 = tpu.memref_squeeze %dma_start3A_266 : memref<1x48x128xf32, #tpu.memory_space<vmem>> -> memref<48x128xf32, #tpu.memory_space<vmem>>
      %dma_start3A_268 = arith.constant 0 : i32
      %dma_start3A_269 = tpu.memref_slice %arg6[%add3A_262, %dma_start3A_268] : memref<30x48xi32, #tpu.memory_space<vmem>> -> memref<1x48xi32, #tpu.memory_space<vmem>>
      %dma_start3A_270 = tpu.memref_squeeze %dma_start3A_269 : memref<1x48xi32, #tpu.memory_space<vmem>> -> memref<48xi32, #tpu.memory_space<vmem>>
      %dma_start3A_271 = arith.constant 0 : i32
      %dma_start3A_272 = arith.constant 0 : i32
      %dma_start3A_273 = tpu.memref_slice %arg2[%dma_start3A_271, %dma_start3A_272] : memref<270000x128xf32, #tpu.memory_space<hbm>> -> memref<270000x128xf32, #tpu.memory_space<hbm>>
      tpu.enqueue_indirect_dma source(%dma_start3A_273 : memref<270000x128xf32, #tpu.memory_space<hbm>>) target(%dma_start3A_267 : memref<48x128xf32, #tpu.memory_space<vmem>>) offsets(%dma_start3A_270 : memref<48xi32, #tpu.memory_space<vmem>>) semaphore(%arg13 : memref<!tpu.dma_semaphore, #tpu.memory_space<semaphore_mem>>)
      %add3A_274 = arith.constant 3 : i32
      %add3A_275 = arith.addi %sub3A_136, %add3A_274 : i32
      %add3A_276 = arith.constant 1 : i32
      %add3A_277 = arith.addi %add3A_275, %add3A_276 : i32
      %dma_start3A_278 = arith.constant 4 : i32
      %dma_start3A_279 = arith.constant 0 : i32
      %dma_start3A_280 = arith.constant 0 : i32
      %dma_start3A_281 = tpu.memref_slice %arg8[%dma_start3A_278, %dma_start3A_279, %dma_start3A_280] : memref<6x48x128xf32, #tpu.memory_space<vmem>> -> memref<1x48x128xf32, #tpu.memory_space<vmem>>
      %dma_start3A_282 = tpu.memref_squeeze %dma_start3A_281 : memref<1x48x128xf32, #tpu.memory_space<vmem>> -> memref<48x128xf32, #tpu.memory_space<vmem>>
      %dma_start3A_283 = arith.constant 0 : i32
      %dma_start3A_284 = tpu.memref_slice %arg6[%add3A_277, %dma_start3A_283] : memref<30x48xi32, #tpu.memory_space<vmem>> -> memref<1x48xi32, #tpu.memory_space<vmem>>
      %dma_start3A_285 = tpu.memref_squeeze %dma_start3A_284 : memref<1x48xi32, #tpu.memory_space<vmem>> -> memref<48xi32, #tpu.memory_space<vmem>>
      %dma_start3A_286 = arith.constant 0 : i32
      %dma_start3A_287 = arith.constant 0 : i32
      %dma_start3A_288 = tpu.memref_slice %arg2[%dma_start3A_286, %dma_start3A_287] : memref<270000x128xf32, #tpu.memory_space<hbm>> -> memref<270000x128xf32, #tpu.memory_space<hbm>>
      tpu.enqueue_indirect_dma source(%dma_start3A_288 : memref<270000x128xf32, #tpu.memory_space<hbm>>) target(%dma_start3A_282 : memref<48x128xf32, #tpu.memory_space<vmem>>) offsets(%dma_start3A_285 : memref<48xi32, #tpu.memory_space<vmem>>) semaphore(%arg14 : memref<!tpu.dma_semaphore, #tpu.memory_space<semaphore_mem>>)
      %add3A_289 = arith.constant 3 : i32
      %add3A_290 = arith.addi %sub3A_136, %add3A_289 : i32
      %add3A_291 = arith.constant 2 : i32
      %add3A_292 = arith.addi %add3A_290, %add3A_291 : i32
      %dma_start3A_293 = arith.constant 5 : i32
      %dma_start3A_294 = arith.constant 0 : i32
      %dma_start3A_295 = arith.constant 0 : i32
      %dma_start3A_296 = tpu.memref_slice %arg8[%dma_start3A_293, %dma_start3A_294, %dma_start3A_295] : memref<6x48x128xf32, #tpu.memory_space<vmem>> -> memref<1x48x128xf32, #tpu.memory_space<vmem>>
      %dma_start3A_297 = tpu.memref_squeeze %dma_start3A_296 : memref<1x48x128xf32, #tpu.memory_space<vmem>> -> memref<48x128xf32, #tpu.memory_space<vmem>>
      %dma_start3A_298 = arith.constant 0 : i32
      %dma_start3A_299 = tpu.memref_slice %arg6[%add3A_292, %dma_start3A_298] : memref<30x48xi32, #tpu.memory_space<vmem>> -> memref<1x48xi32, #tpu.memory_space<vmem>>
      %dma_start3A_300 = tpu.memref_squeeze %dma_start3A_299 : memref<1x48xi32, #tpu.memory_space<vmem>> -> memref<48xi32, #tpu.memory_space<vmem>>
      %dma_start3A_301 = arith.constant 0 : i32
      %dma_start3A_302 = arith.constant 0 : i32
      %dma_start3A_303 = tpu.memref_slice %arg2[%dma_start3A_301, %dma_start3A_302] : memref<270000x128xf32, #tpu.memory_space<hbm>> -> memref<270000x128xf32, #tpu.memory_space<hbm>>
      tpu.enqueue_indirect_dma source(%dma_start3A_303 : memref<270000x128xf32, #tpu.memory_space<hbm>>) target(%dma_start3A_297 : memref<48x128xf32, #tpu.memory_space<vmem>>) offsets(%dma_start3A_300 : memref<48xi32, #tpu.memory_space<vmem>>) semaphore(%arg15 : memref<!tpu.dma_semaphore, #tpu.memory_space<semaphore_mem>>)
      %dma_wait3A_304 = arith.constant 3 : i32
      %dma_wait3A_305 = arith.constant 0 : i32
      %dma_wait3A_306 = arith.constant 0 : i32
      %dma_wait3A_307 = tpu.memref_slice %arg8[%dma_wait3A_304, %dma_wait3A_305, %dma_wait3A_306] : memref<6x48x128xf32, #tpu.memory_space<vmem>> -> memref<1x48x128xf32, #tpu.memory_space<vmem>>
      %dma_wait3A_308 = tpu.memref_squeeze %dma_wait3A_307 : memref<1x48x128xf32, #tpu.memory_space<vmem>> -> memref<48x128xf32, #tpu.memory_space<vmem>>
      %dma_wait3A_309 = arith.constant 0 : i32
      %dma_wait3A_310 = tpu.memref_slice %arg6[%add3A_262, %dma_wait3A_309] : memref<30x48xi32, #tpu.memory_space<vmem>> -> memref<1x48xi32, #tpu.memory_space<vmem>>
      %dma_wait3A_311 = tpu.memref_squeeze %dma_wait3A_310 : memref<1x48xi32, #tpu.memory_space<vmem>> -> memref<48xi32, #tpu.memory_space<vmem>>
      %dma_wait3A_312 = arith.constant 0 : i32
      %dma_wait3A_313 = arith.constant 0 : i32
      %dma_wait3A_314 = tpu.memref_slice %arg2[%dma_wait3A_312, %dma_wait3A_313] : memref<270000x128xf32, #tpu.memory_space<hbm>> -> memref<270000x128xf32, #tpu.memory_space<hbm>>
      tpu.wait_indirect_dma semaphore(%arg13 : memref<!tpu.dma_semaphore, #tpu.memory_space<semaphore_mem>>) src(%dma_wait3A_314 : memref<270000x128xf32, #tpu.memory_space<hbm>>) dst(%dma_wait3A_308 : memref<48x128xf32, #tpu.memory_space<vmem>>)
      %add3A_315 = arith.constant 3 : i32
      %add3A_316 = arith.addi %sub3A_136, %add3A_315 : i32
      %add3A_317 = arith.constant 0 : i32
      %add3A_318 = arith.addi %add3A_316, %add3A_317 : i32
      %dma_start3A_319 = arith.constant 3 : i32
      %dma_start3A_320 = arith.constant 0 : i32
      %dma_start3A_321 = arith.constant 0 : i32
      %dma_start3A_322 = tpu.memref_slice %arg8[%dma_start3A_319, %dma_start3A_320, %dma_start3A_321] : memref<6x48x128xf32, #tpu.memory_space<vmem>> -> memref<1x48x128xf32, #tpu.memory_space<vmem>>
      %dma_start3A_323 = tpu.memref_squeeze %dma_start3A_322 : memref<1x48x128xf32, #tpu.memory_space<vmem>> -> memref<48x128xf32, #tpu.memory_space<vmem>>
      %dma_start3A_324 = arith.constant 0 : i32
      %dma_start3A_325 = tpu.memref_slice %arg7[%select_n3A_133, %add3A_318, %dma_start3A_324] : memref<2x30x48xi32, #tpu.memory_space<vmem>> -> memref<1x1x48xi32, #tpu.memory_space<vmem>>
      %dma_start3A_326 = tpu.memref_squeeze %dma_start3A_325 : memref<1x1x48xi32, #tpu.memory_space<vmem>> -> memref<48xi32, #tpu.memory_space<vmem>>
      %dma_start3A_327 = arith.constant 0 : i32
      %dma_start3A_328 = arith.constant 0 : i32
      %dma_start3A_329 = tpu.memref_slice %arg9[%dma_start3A_327, %dma_start3A_328] : memref<10112x128xf32, #tpu.memory_space<vmem_shared>> -> memref<10112x128xf32, #tpu.memory_space<vmem_shared>>
      tpu.enqueue_indirect_dma source(%dma_start3A_323 : memref<48x128xf32, #tpu.memory_space<vmem>>) target(%dma_start3A_329 : memref<10112x128xf32, #tpu.memory_space<vmem_shared>>) offsets(%dma_start3A_326 : memref<48xi32, #tpu.memory_space<vmem>>) semaphore(%arg19 : memref<!tpu.dma_semaphore, #tpu.memory_space<semaphore_mem>>) {add = true}
      %dma_wait3A_330 = arith.constant 4 : i32
      %dma_wait3A_331 = arith.constant 0 : i32
      %dma_wait3A_332 = arith.constant 0 : i32
      %dma_wait3A_333 = tpu.memref_slice %arg8[%dma_wait3A_330, %dma_wait3A_331, %dma_wait3A_332] : memref<6x48x128xf32, #tpu.memory_space<vmem>> -> memref<1x48x128xf32, #tpu.memory_space<vmem>>
      %dma_wait3A_334 = tpu.memref_squeeze %dma_wait3A_333 : memref<1x48x128xf32, #tpu.memory_space<vmem>> -> memref<48x128xf32, #tpu.memory_space<vmem>>
      %dma_wait3A_335 = arith.constant 0 : i32
      %dma_wait3A_336 = tpu.memref_slice %arg6[%add3A_277, %dma_wait3A_335] : memref<30x48xi32, #tpu.memory_space<vmem>> -> memref<1x48xi32, #tpu.memory_space<vmem>>
      %dma_wait3A_337 = tpu.memref_squeeze %dma_wait3A_336 : memref<1x48xi32, #tpu.memory_space<vmem>> -> memref<48xi32, #tpu.memory_space<vmem>>
      %dma_wait3A_338 = arith.constant 0 : i32
      %dma_wait3A_339 = arith.constant 0 : i32
      %dma_wait3A_340 = tpu.memref_slice %arg2[%dma_wait3A_338, %dma_wait3A_339] : memref<270000x128xf32, #tpu.memory_space<hbm>> -> memref<270000x128xf32, #tpu.memory_space<hbm>>
      tpu.wait_indirect_dma semaphore(%arg14 : memref<!tpu.dma_semaphore, #tpu.memory_space<semaphore_mem>>) src(%dma_wait3A_340 : memref<270000x128xf32, #tpu.memory_space<hbm>>) dst(%dma_wait3A_334 : memref<48x128xf32, #tpu.memory_space<vmem>>)
      %add3A_341 = arith.constant 3 : i32
      %add3A_342 = arith.addi %sub3A_136, %add3A_341 : i32
      %add3A_343 = arith.constant 1 : i32
      %add3A_344 = arith.addi %add3A_342, %add3A_343 : i32
      %dma_start3A_345 = arith.constant 4 : i32
      %dma_start3A_346 = arith.constant 0 : i32
      %dma_start3A_347 = arith.constant 0 : i32
      %dma_start3A_348 = tpu.memref_slice %arg8[%dma_start3A_345, %dma_start3A_346, %dma_start3A_347] : memref<6x48x128xf32, #tpu.memory_space<vmem>> -> memref<1x48x128xf32, #tpu.memory_space<vmem>>
      %dma_start3A_349 = tpu.memref_squeeze %dma_start3A_348 : memref<1x48x128xf32, #tpu.memory_space<vmem>> -> memref<48x128xf32, #tpu.memory_space<vmem>>
      %dma_start3A_350 = arith.constant 0 : i32
      %dma_start3A_351 = tpu.memref_slice %arg7[%select_n3A_133, %add3A_344, %dma_start3A_350] : memref<2x30x48xi32, #tpu.memory_space<vmem>> -> memref<1x1x48xi32, #tpu.memory_space<vmem>>
      %dma_start3A_352 = tpu.memref_squeeze %dma_start3A_351 : memref<1x1x48xi32, #tpu.memory_space<vmem>> -> memref<48xi32, #tpu.memory_space<vmem>>
      %dma_start3A_353 = arith.constant 0 : i32
      %dma_start3A_354 = arith.constant 0 : i32
      %dma_start3A_355 = tpu.memref_slice %arg9[%dma_start3A_353, %dma_start3A_354] : memref<10112x128xf32, #tpu.memory_space<vmem_shared>> -> memref<10112x128xf32, #tpu.memory_space<vmem_shared>>
      tpu.enqueue_indirect_dma source(%dma_start3A_349 : memref<48x128xf32, #tpu.memory_space<vmem>>) target(%dma_start3A_355 : memref<10112x128xf32, #tpu.memory_space<vmem_shared>>) offsets(%dma_start3A_352 : memref<48xi32, #tpu.memory_space<vmem>>) semaphore(%arg20 : memref<!tpu.dma_semaphore, #tpu.memory_space<semaphore_mem>>) {add = true}
      %dma_wait3A_356 = arith.constant 5 : i32
      %dma_wait3A_357 = arith.constant 0 : i32
      %dma_wait3A_358 = arith.constant 0 : i32
      %dma_wait3A_359 = tpu.memref_slice %arg8[%dma_wait3A_356, %dma_wait3A_357, %dma_wait3A_358] : memref<6x48x128xf32, #tpu.memory_space<vmem>> -> memref<1x48x128xf32, #tpu.memory_space<vmem>>
      %dma_wait3A_360 = tpu.memref_squeeze %dma_wait3A_359 : memref<1x48x128xf32, #tpu.memory_space<vmem>> -> memref<48x128xf32, #tpu.memory_space<vmem>>
      %dma_wait3A_361 = arith.constant 0 : i32
      %dma_wait3A_362 = tpu.memref_slice %arg6[%add3A_292, %dma_wait3A_361] : memref<30x48xi32, #tpu.memory_space<vmem>> -> memref<1x48xi32, #tpu.memory_space<vmem>>
      %dma_wait3A_363 = tpu.memref_squeeze %dma_wait3A_362 : memref<1x48xi32, #tpu.memory_space<vmem>> -> memref<48xi32, #tpu.memory_space<vmem>>
      %dma_wait3A_364 = arith.constant 0 : i32
      %dma_wait3A_365 = arith.constant 0 : i32
      %dma_wait3A_366 = tpu.memref_slice %arg2[%dma_wait3A_364, %dma_wait3A_365] : memref<270000x128xf32, #tpu.memory_space<hbm>> -> memref<270000x128xf32, #tpu.memory_space<hbm>>
      tpu.wait_indirect_dma semaphore(%arg15 : memref<!tpu.dma_semaphore, #tpu.memory_space<semaphore_mem>>) src(%dma_wait3A_366 : memref<270000x128xf32, #tpu.memory_space<hbm>>) dst(%dma_wait3A_360 : memref<48x128xf32, #tpu.memory_space<vmem>>)
      %add3A_367 = arith.constant 3 : i32
      %add3A_368 = arith.addi %sub3A_136, %add3A_367 : i32
      %add3A_369 = arith.constant 2 : i32
      %add3A_370 = arith.addi %add3A_368, %add3A_369 : i32
      %dma_start3A_371 = arith.constant 5 : i32
      %dma_start3A_372 = arith.constant 0 : i32
      %dma_start3A_373 = arith.constant 0 : i32
      %dma_start3A_374 = tpu.memref_slice %arg8[%dma_start3A_371, %dma_start3A_372, %dma_start3A_373] : memref<6x48x128xf32, #tpu.memory_space<vmem>> -> memref<1x48x128xf32, #tpu.memory_space<vmem>>
      %dma_start3A_375 = tpu.memref_squeeze %dma_start3A_374 : memref<1x48x128xf32, #tpu.memory_space<vmem>> -> memref<48x128xf32, #tpu.memory_space<vmem>>
      %dma_start3A_376 = arith.constant 0 : i32
      %dma_start3A_377 = tpu.memref_slice %arg7[%select_n3A_133, %add3A_370, %dma_start3A_376] : memref<2x30x48xi32, #tpu.memory_space<vmem>> -> memref<1x1x48xi32, #tpu.memory_space<vmem>>
      %dma_start3A_378 = tpu.memref_squeeze %dma_start3A_377 : memref<1x1x48xi32, #tpu.memory_space<vmem>> -> memref<48xi32, #tpu.memory_space<vmem>>
      %dma_start3A_379 = arith.constant 0 : i32
      %dma_start3A_380 = arith.constant 0 : i32
      %dma_start3A_381 = tpu.memref_slice %arg9[%dma_start3A_379, %dma_start3A_380] : memref<10112x128xf32, #tpu.memory_space<vmem_shared>> -> memref<10112x128xf32, #tpu.memory_space<vmem_shared>>
      tpu.enqueue_indirect_dma source(%dma_start3A_375 : memref<48x128xf32, #tpu.memory_space<vmem>>) target(%dma_start3A_381 : memref<10112x128xf32, #tpu.memory_space<vmem_shared>>) offsets(%dma_start3A_378 : memref<48xi32, #tpu.memory_space<vmem>>) semaphore(%arg21 : memref<!tpu.dma_semaphore, #tpu.memory_space<semaphore_mem>>) {add = true}
    }
    %scan3A_22 = arith.constant 35 : i32
    %dma_wait3A = arith.constant 0 : i32
    %dma_wait3A_23 = arith.constant 0 : i32
    %dma_wait3A_24 = arith.constant 0 : i32
    %dma_wait3A_25 = arith.constant 0 : i32
    %dma_wait3A_26 = arith.constant 0 : i32
    %dma_wait3A_27 = tpu.memref_slice %arg8[%dma_wait3A, %dma_wait3A_25, %dma_wait3A_26] : memref<6x48x128xf32, #tpu.memory_space<vmem>> -> memref<1x48x128xf32, #tpu.memory_space<vmem>>
    %dma_wait3A_28 = tpu.memref_squeeze %dma_wait3A_27 : memref<1x48x128xf32, #tpu.memory_space<vmem>> -> memref<48x128xf32, #tpu.memory_space<vmem>>
    %dma_wait3A_29 = arith.constant 0 : i32
    %dma_wait3A_30 = tpu.memref_slice %arg7[%dma_wait3A_23, %dma_wait3A_24, %dma_wait3A_29] : memref<2x30x48xi32, #tpu.memory_space<vmem>> -> memref<1x1x48xi32, #tpu.memory_space<vmem>>
    %dma_wait3A_31 = tpu.memref_squeeze %dma_wait3A_30 : memref<1x1x48xi32, #tpu.memory_space<vmem>> -> memref<48xi32, #tpu.memory_space<vmem>>
    %dma_wait3A_32 = arith.constant 0 : i32
    %dma_wait3A_33 = arith.constant 0 : i32
    %dma_wait3A_34 = tpu.memref_slice %arg9[%dma_wait3A_32, %dma_wait3A_33] : memref<10112x128xf32, #tpu.memory_space<vmem_shared>> -> memref<10112x128xf32, #tpu.memory_space<vmem_shared>>
    tpu.wait_indirect_dma semaphore(%arg16 : memref<!tpu.dma_semaphore, #tpu.memory_space<semaphore_mem>>) src(%dma_wait3A_28 : memref<48x128xf32, #tpu.memory_space<vmem>>) dst(%dma_wait3A_34 : memref<10112x128xf32, #tpu.memory_space<vmem_shared>>)
    %dma_wait3A_35 = arith.constant 1 : i32
    %dma_wait3A_36 = arith.constant 0 : i32
    %dma_wait3A_37 = arith.constant 0 : i32
    %dma_wait3A_38 = arith.constant 0 : i32
    %dma_wait3A_39 = arith.constant 0 : i32
    %dma_wait3A_40 = tpu.memref_slice %arg8[%dma_wait3A_35, %dma_wait3A_38, %dma_wait3A_39] : memref<6x48x128xf32, #tpu.memory_space<vmem>> -> memref<1x48x128xf32, #tpu.memory_space<vmem>>
    %dma_wait3A_41 = tpu.memref_squeeze %dma_wait3A_40 : memref<1x48x128xf32, #tpu.memory_space<vmem>> -> memref<48x128xf32, #tpu.memory_space<vmem>>
    %dma_wait3A_42 = arith.constant 0 : i32
    %dma_wait3A_43 = tpu.memref_slice %arg7[%dma_wait3A_36, %dma_wait3A_37, %dma_wait3A_42] : memref<2x30x48xi32, #tpu.memory_space<vmem>> -> memref<1x1x48xi32, #tpu.memory_space<vmem>>
    %dma_wait3A_44 = tpu.memref_squeeze %dma_wait3A_43 : memref<1x1x48xi32, #tpu.memory_space<vmem>> -> memref<48xi32, #tpu.memory_space<vmem>>
    %dma_wait3A_45 = arith.constant 0 : i32
    %dma_wait3A_46 = arith.constant 0 : i32
    %dma_wait3A_47 = tpu.memref_slice %arg9[%dma_wait3A_45, %dma_wait3A_46] : memref<10112x128xf32, #tpu.memory_space<vmem_shared>> -> memref<10112x128xf32, #tpu.memory_space<vmem_shared>>
    tpu.wait_indirect_dma semaphore(%arg17 : memref<!tpu.dma_semaphore, #tpu.memory_space<semaphore_mem>>) src(%dma_wait3A_41 : memref<48x128xf32, #tpu.memory_space<vmem>>) dst(%dma_wait3A_47 : memref<10112x128xf32, #tpu.memory_space<vmem_shared>>)
    %dma_wait3A_48 = arith.constant 2 : i32
    %dma_wait3A_49 = arith.constant 0 : i32
    %dma_wait3A_50 = arith.constant 0 : i32
    %dma_wait3A_51 = arith.constant 0 : i32
    %dma_wait3A_52 = arith.constant 0 : i32
    %dma_wait3A_53 = tpu.memref_slice %arg8[%dma_wait3A_48, %dma_wait3A_51, %dma_wait3A_52] : memref<6x48x128xf32, #tpu.memory_space<vmem>> -> memref<1x48x128xf32, #tpu.memory_space<vmem>>
    %dma_wait3A_54 = tpu.memref_squeeze %dma_wait3A_53 : memref<1x48x128xf32, #tpu.memory_space<vmem>> -> memref<48x128xf32, #tpu.memory_space<vmem>>
    %dma_wait3A_55 = arith.constant 0 : i32
    %dma_wait3A_56 = tpu.memref_slice %arg7[%dma_wait3A_49, %dma_wait3A_50, %dma_wait3A_55] : memref<2x30x48xi32, #tpu.memory_space<vmem>> -> memref<1x1x48xi32, #tpu.memory_space<vmem>>
    %dma_wait3A_57 = tpu.memref_squeeze %dma_wait3A_56 : memref<1x1x48xi32, #tpu.memory_space<vmem>> -> memref<48xi32, #tpu.memory_space<vmem>>
    %dma_wait3A_58 = arith.constant 0 : i32
    %dma_wait3A_59 = arith.constant 0 : i32
    %dma_wait3A_60 = tpu.memref_slice %arg9[%dma_wait3A_58, %dma_wait3A_59] : memref<10112x128xf32, #tpu.memory_space<vmem_shared>> -> memref<10112x128xf32, #tpu.memory_space<vmem_shared>>
    tpu.wait_indirect_dma semaphore(%arg18 : memref<!tpu.dma_semaphore, #tpu.memory_space<semaphore_mem>>) src(%dma_wait3A_54 : memref<48x128xf32, #tpu.memory_space<vmem>>) dst(%dma_wait3A_60 : memref<10112x128xf32, #tpu.memory_space<vmem_shared>>)
    %dma_wait3A_61 = arith.constant 3 : i32
    %dma_wait3A_62 = arith.constant 0 : i32
    %dma_wait3A_63 = arith.constant 0 : i32
    %dma_wait3A_64 = arith.constant 0 : i32
    %dma_wait3A_65 = arith.constant 0 : i32
    %dma_wait3A_66 = tpu.memref_slice %arg8[%dma_wait3A_61, %dma_wait3A_64, %dma_wait3A_65] : memref<6x48x128xf32, #tpu.memory_space<vmem>> -> memref<1x48x128xf32, #tpu.memory_space<vmem>>
    %dma_wait3A_67 = tpu.memref_squeeze %dma_wait3A_66 : memref<1x48x128xf32, #tpu.memory_space<vmem>> -> memref<48x128xf32, #tpu.memory_space<vmem>>
    %dma_wait3A_68 = arith.constant 0 : i32
    %dma_wait3A_69 = tpu.memref_slice %arg7[%dma_wait3A_62, %dma_wait3A_63, %dma_wait3A_68] : memref<2x30x48xi32, #tpu.memory_space<vmem>> -> memref<1x1x48xi32, #tpu.memory_space<vmem>>
    %dma_wait3A_70 = tpu.memref_squeeze %dma_wait3A_69 : memref<1x1x48xi32, #tpu.memory_space<vmem>> -> memref<48xi32, #tpu.memory_space<vmem>>
    %dma_wait3A_71 = arith.constant 0 : i32
    %dma_wait3A_72 = arith.constant 0 : i32
    %dma_wait3A_73 = tpu.memref_slice %arg9[%dma_wait3A_71, %dma_wait3A_72] : memref<10112x128xf32, #tpu.memory_space<vmem_shared>> -> memref<10112x128xf32, #tpu.memory_space<vmem_shared>>
    tpu.wait_indirect_dma semaphore(%arg19 : memref<!tpu.dma_semaphore, #tpu.memory_space<semaphore_mem>>) src(%dma_wait3A_67 : memref<48x128xf32, #tpu.memory_space<vmem>>) dst(%dma_wait3A_73 : memref<10112x128xf32, #tpu.memory_space<vmem_shared>>)
    %dma_wait3A_74 = arith.constant 4 : i32
    %dma_wait3A_75 = arith.constant 0 : i32
    %dma_wait3A_76 = arith.constant 0 : i32
    %dma_wait3A_77 = arith.constant 0 : i32
    %dma_wait3A_78 = arith.constant 0 : i32
    %dma_wait3A_79 = tpu.memref_slice %arg8[%dma_wait3A_74, %dma_wait3A_77, %dma_wait3A_78] : memref<6x48x128xf32, #tpu.memory_space<vmem>> -> memref<1x48x128xf32, #tpu.memory_space<vmem>>
    %dma_wait3A_80 = tpu.memref_squeeze %dma_wait3A_79 : memref<1x48x128xf32, #tpu.memory_space<vmem>> -> memref<48x128xf32, #tpu.memory_space<vmem>>
    %dma_wait3A_81 = arith.constant 0 : i32
    %dma_wait3A_82 = tpu.memref_slice %arg7[%dma_wait3A_75, %dma_wait3A_76, %dma_wait3A_81] : memref<2x30x48xi32, #tpu.memory_space<vmem>> -> memref<1x1x48xi32, #tpu.memory_space<vmem>>
    %dma_wait3A_83 = tpu.memref_squeeze %dma_wait3A_82 : memref<1x1x48xi32, #tpu.memory_space<vmem>> -> memref<48xi32, #tpu.memory_space<vmem>>
    %dma_wait3A_84 = arith.constant 0 : i32
    %dma_wait3A_85 = arith.constant 0 : i32
    %dma_wait3A_86 = tpu.memref_slice %arg9[%dma_wait3A_84, %dma_wait3A_85] : memref<10112x128xf32, #tpu.memory_space<vmem_shared>> -> memref<10112x128xf32, #tpu.memory_space<vmem_shared>>
    tpu.wait_indirect_dma semaphore(%arg20 : memref<!tpu.dma_semaphore, #tpu.memory_space<semaphore_mem>>) src(%dma_wait3A_80 : memref<48x128xf32, #tpu.memory_space<vmem>>) dst(%dma_wait3A_86 : memref<10112x128xf32, #tpu.memory_space<vmem_shared>>)
    %dma_wait3A_87 = arith.constant 5 : i32
    %dma_wait3A_88 = arith.constant 0 : i32
    %dma_wait3A_89 = arith.constant 0 : i32
    %dma_wait3A_90 = arith.constant 0 : i32
    %dma_wait3A_91 = arith.constant 0 : i32
    %dma_wait3A_92 = tpu.memref_slice %arg8[%dma_wait3A_87, %dma_wait3A_90, %dma_wait3A_91] : memref<6x48x128xf32, #tpu.memory_space<vmem>> -> memref<1x48x128xf32, #tpu.memory_space<vmem>>
    %dma_wait3A_93 = tpu.memref_squeeze %dma_wait3A_92 : memref<1x48x128xf32, #tpu.memory_space<vmem>> -> memref<48x128xf32, #tpu.memory_space<vmem>>
    %dma_wait3A_94 = arith.constant 0 : i32
    %dma_wait3A_95 = tpu.memref_slice %arg7[%dma_wait3A_88, %dma_wait3A_89, %dma_wait3A_94] : memref<2x30x48xi32, #tpu.memory_space<vmem>> -> memref<1x1x48xi32, #tpu.memory_space<vmem>>
    %dma_wait3A_96 = tpu.memref_squeeze %dma_wait3A_95 : memref<1x1x48xi32, #tpu.memory_space<vmem>> -> memref<48xi32, #tpu.memory_space<vmem>>
    %dma_wait3A_97 = arith.constant 0 : i32
    %dma_wait3A_98 = arith.constant 0 : i32
    %dma_wait3A_99 = tpu.memref_slice %arg9[%dma_wait3A_97, %dma_wait3A_98] : memref<10112x128xf32, #tpu.memory_space<vmem_shared>> -> memref<10112x128xf32, #tpu.memory_space<vmem_shared>>
    tpu.wait_indirect_dma semaphore(%arg21 : memref<!tpu.dma_semaphore, #tpu.memory_space<semaphore_mem>>) src(%dma_wait3A_93 : memref<48x128xf32, #tpu.memory_space<vmem>>) dst(%dma_wait3A_99 : memref<10112x128xf32, #tpu.memory_space<vmem_shared>>)
    %barrier3A_100 = arith.constant 0 : index
    tpu.barrier barrier_id(%barrier3A_100)
    "tpu.region"() ({
      %run_scoped3A_101 = tpu.sem_alloc : memref<!tpu.dma_semaphore, #tpu.memory_space<semaphore_mem>>
      %dma_start3A = arith.constant 0 : i32
      %dma_start3A_102 = tpu.memref_slice %arg5[%arg0, %mul3A_2, %dma_start3A] : memref<2x10112x128xf32, #tpu.memory_space<hbm>> -> memref<1x632x128xf32, #tpu.memory_space<hbm>>
      %dma_start3A_103 = tpu.memref_squeeze %dma_start3A_102 : memref<1x632x128xf32, #tpu.memory_space<hbm>> -> memref<632x128xf32, #tpu.memory_space<hbm>>
      %dma_start3A_104 = arith.constant 0 : i32
      %dma_start3A_105 = tpu.memref_slice %arg9[%mul3A_2, %dma_start3A_104] : memref<10112x128xf32, #tpu.memory_space<vmem_shared>> -> memref<632x128xf32, #tpu.memory_space<vmem_shared>>
      tpu.enqueue_dma source(%dma_start3A_105 : memref<632x128xf32, #tpu.memory_space<vmem_shared>>) target(%dma_start3A_103 : memref<632x128xf32, #tpu.memory_space<hbm>>) target_semaphore(%run_scoped3A_101 : memref<!tpu.dma_semaphore, #tpu.memory_space<semaphore_mem>>)
      %dma_wait3A_106 = arith.constant 0 : i32
      %dma_wait3A_107 = tpu.memref_slice %arg5[%arg0, %mul3A_2, %dma_wait3A_106] : memref<2x10112x128xf32, #tpu.memory_space<hbm>> -> memref<1x632x128xf32, #tpu.memory_space<hbm>>
      %dma_wait3A_108 = tpu.memref_squeeze %dma_wait3A_107 : memref<1x632x128xf32, #tpu.memory_space<hbm>> -> memref<632x128xf32, #tpu.memory_space<hbm>>
      %dma_wait3A_109 = arith.constant 0 : i32
      %dma_wait3A_110 = tpu.memref_slice %arg9[%mul3A_2, %dma_wait3A_109] : memref<10112x128xf32, #tpu.memory_space<vmem_shared>> -> memref<632x128xf32, #tpu.memory_space<vmem_shared>>
      tpu.wait_dma2 semaphore(%run_scoped3A_101 : memref<!tpu.dma_semaphore, #tpu.memory_space<semaphore_mem>>) src(%dma_wait3A_110 : memref<632x128xf32, #tpu.memory_space<vmem_shared>>) dst(%dma_wait3A_108 : memref<632x128xf32, #tpu.memory_space<hbm>>)
      tpu.yield
    }) : () -> ()
    return
  }
}

module attributes {stable_mosaic.version = 14 : i64} {
  func.func @body(%arg0: i32, %arg1: memref<10000x128xf32, #tpu.memory_space<vmem>>, %arg2: memref<1x128x128xf32, #tpu.memory_space<vmem>>, %arg3: memref<1x10000x128xf32, #tpu.memory_space<vmem>>) attributes {dimension_semantics = [#tpu.dimension_semantics<arbitrary>], iteration_bounds = array<i64: 27>, scalar_prefetch = 0 : i64, scratch_operands = 0 : i64, tpu.core_type = #tpu.core_type<tc>, window_params = [{pipeline_mode = #tpu.pipeline_mode<synchronous>, transform_indices = @transform_0, window_bounds = array<i64: 10000, 128>}, {transform_indices = @transform_1, window_bounds = array<i64: 1, 128, 128>}, {transform_indices = @transform_2, window_bounds = array<i64: 1, 10000, 128>}]} {
    %get3A = arith.constant 0 : index
    %get3A_0 = arith.constant 0 : index
    %get3A_1 = vector.load %arg1[%get3A, %get3A_0] : memref<10000x128xf32, #tpu.memory_space<vmem>>, vector<10000x128xf32>
    %get3A_2 = arith.constant 0 : index
    %get3A_3 = arith.constant 0 : index
    %get3A_4 = arith.constant 0 : index
    %get3A_5 = vector.load %arg2[%get3A_2, %get3A_3, %get3A_4] : memref<1x128x128xf32, #tpu.memory_space<vmem>>, vector<1x128x128xf32>
    %get3A_6 = vector.shape_cast %get3A_5 : vector<1x128x128xf32> to vector<128x128xf32>
    %dot_general3A = arith.constant dense<0.000000e+00> : vector<10000x128xf32>
    %dot_general3A_7 = tpu.matmul %get3A_1, %get3A_6, %dot_general3A {dimension_numbers = #tpu.dot_dimension_numbers<[1], [0], [0], [1], [0, 0, 1, 1], [], []>, transpose_lhs_hint = false} : vector<10000x128xf32>, vector<128x128xf32>, vector<10000x128xf32> -> vector<10000x128xf32>
    %swap3A = arith.constant 0 : index
    %swap3A_8 = arith.constant 0 : index
    %swap3A_9 = arith.constant 0 : index
    %swap3A_10 = vector.load %arg3[%swap3A, %swap3A_8, %swap3A_9] : memref<1x10000x128xf32, #tpu.memory_space<vmem>>, vector<1x10000x128xf32>
    %swap3A_11 = vector.shape_cast %swap3A_10 : vector<1x10000x128xf32> to vector<10000x128xf32>
    %swap3A_12 = vector.shape_cast %dot_general3A_7 : vector<10000x128xf32> to vector<1x10000x128xf32>
    tpu.vector_store %arg3[%swap3A, %swap3A_8, %swap3A_9], %swap3A_12 {strides = array<i32>} : memref<1x10000x128xf32, #tpu.memory_space<vmem>>, vector<1x10000x128xf32>,
    return
  }
  func.func @transform_0(%arg0: i32) -> (i32, i32) {
    %c0_i32 = arith.constant 0 : i32
    %c0_i32_0 = arith.constant 0 : i32
    %c0_i32_1 = arith.constant 0 : i32
    return %c0_i32, %c0_i32_0 : i32, i32
  }
  func.func @transform_1(%arg0: i32) -> (i32, i32, i32) {
    %c0_i32 = arith.constant 0 : i32
    %c0_i32_0 = arith.constant 0 : i32
    %c0_i32_1 = arith.constant 0 : i32
    return %arg0, %c0_i32, %c0_i32_0 : i32, i32, i32
  }
  func.func @transform_2(%arg0: i32) -> (i32, i32, i32) {
    %c0_i32 = arith.constant 0 : i32
    %c0_i32_0 = arith.constant 0 : i32
    %c0_i32_1 = arith.constant 0 : i32
    return %arg0, %c0_i32, %c0_i32_0 : i32, i32, i32
  }
}

module attributes {stable_mosaic.version = 14 : i64} {
  func.func @body(%arg0: memref<2x10112x128xf32, #tpu.memory_space<vmem>>, %arg1: memref<10000x128xf32, #tpu.memory_space<vmem>>) attributes {dimension_semantics = [], scalar_prefetch = 0 : i64, scratch_operands = 0 : i64, tpu.core_type = #tpu.core_type<tc>} {
    %get3A = arith.constant 0 : index
    %get3A_0 = arith.constant 0 : index
    %get3A_1 = arith.constant 0 : index
    %get3A_2 = vector.load %arg0[%get3A, %get3A_0, %get3A_1] : memref<2x10112x128xf32, #tpu.memory_space<vmem>>, vector<1x10000x128xf32>
    %get3A_3 = vector.shape_cast %get3A_2 : vector<1x10000x128xf32> to vector<10000x128xf32>
    %get3A_4 = arith.constant 1 : index
    %get3A_5 = arith.constant 0 : index
    %get3A_6 = arith.constant 0 : index
    %get3A_7 = vector.load %arg0[%get3A_4, %get3A_5, %get3A_6] : memref<2x10112x128xf32, #tpu.memory_space<vmem>>, vector<1x10000x128xf32>
    %get3A_8 = vector.shape_cast %get3A_7 : vector<1x10000x128xf32> to vector<10000x128xf32>
    %add3A = arith.addf %get3A_3, %get3A_8 : vector<10000x128xf32>
    %swap3A = arith.constant 0 : index
    %swap3A_9 = arith.constant 0 : index
    %swap3A_10 = vector.load %arg1[%swap3A, %swap3A_9] : memref<10000x128xf32, #tpu.memory_space<vmem>>, vector<10000x128xf32>
    tpu.vector_store %arg1[%swap3A, %swap3A_9], %add3A {strides = array<i32>} : memref<10000x128xf32, #tpu.memory_space<vmem>>, vector<10000x128xf32>,
    return
  }
}

</mosaic_0001>

<sc_bundles>
// kernel: kernel.6.cloned.1.call-start
scs
__scs_entry_jumppad:
0x0: {  	(pc) =	sbr.rel $0x88, $3  }
0x1: {  	(tag) =	ssettag $0x0;
	lr =	simm.s32 $0x1  }
0x2: {  	[smem:$0x3F9C] =	sst lr;
	_ =	strace $0xD0000000  }
0x3: {  	_ = 	snop  }
0x4: {  	_ = 	snop  }
0x5: {  	_ = 	snop  }
0x6: {  	_ = 	snop  }
0x7: {  	_ = 	snop  }
__scs_overlays_trampoline_lowered:
0x8: {  	[smem:$0x3FAB] =	sst s0  }
0x9: {  	[smem:$0x3FAC] =	sst s1  }
0xa: {  	[smem:$0x3FAD] =	sst s2  }
0xb: {  	[smem:$0x3FAE] =	sst s3  }
0xc: {  	[smem:$0x3FAF] =	sst s4  }
0xd: {  	[smem:$0x3FB0] =	sst s5  }
0xe: {  	[smem:$0x3FB1] =	sst s6  }
0xf: {  	[smem:$0x3FB2] =	sst s7  }
0x10: {  	[smem:$0x3FB3] =	sst s8  }
0x11: {  	[smem:$0x3FB4] =	sst s9;
	s0 =	simm.s32 @!p0 $0x0  }
0x12: {  	s1 =	sld [smem:$0x3F9A];
	s0 =	simm.s32 @p0 $0x1  }
0x13: {  	[smem:$0x3FB5] =	sst s0;
	s0 =	simm.s32 @!p1 $0x0  }
0x14: {  	s2 =	sld [smem:$0x3F99];
	s0 =	simm.s32 @p1 $0x1  }
0x15: {  	[smem:$0x3FB6] =	sst s0;
	s0 =	simm.s32 @!p2 $0x0  }
0x16: {  	s3 =	sld [smem:$0x3FDB];
	s0 =	simm.s32 @p2 $0x1  }
0x17: {  	s4 =	simm.s32 $0x1BF5;
	[smem:$0x3FB8] =	sst s0  }
0x18: {  	s0 =	sld [smem:$0x3F9B];
	_ =	swait.ge [sflag:s4], $0x0  }
0x19: {  	s7 =	sld [smem:$0x3F9C]  }
0x1a: {  	s8 =	sadd.s32 $0xFFFFE003, lr  }
0x1b: {  	s9 =	sadd.s32 $0xFFFFFEF7, lr;
	s5 =	simm.s32 $0xFFFFFFFF;
	p2 =	slt.u32 s8, $0xFFFFF086  }
0x1c: {  	p1 =	slt.u32 s9, $0xF7A;
	s5 =	simm.s32 @!p2 $0x0  }
0x1d: {  	s5 =	simm.s32 @p1 $0x1;
	p0 =	seq.s32 s7, s2  }
0x1e: {  	s7 =	smul.u32 @!p0 $0xF7A, s2;
	p2 =	seq.s32 @!p0 s5, $0x0  }
0x1f: {  	s9 =	smul.u32 $0xF7A, s1;
	s8 =	simm.s32 @!p0 $0x1BF5;
	p2 =	por !p2, p0  }
0x20: {  	[sflag:s8] =	ssyncset.s32 @!p0 $0xFFFFF086;
	s6 =	sadd.s32 @!p0 s3, s7;
	s7 =	simm.s32 @!p0 $0x108  }
0x21: {  	s3 =	sadd.s32 s3, s9;
	s6 =	sadd.s32 @!p0 $0x88, s6;
	s7 =	simm.s32 @p2 $0x1082  }
0x22: {  	[simem:s7], [sflag:s8] =	dma.local @!p0 [hbm:s6], $0xF7A  }
0x23: {  	s9 =	sor.u32 $0xD0000000, s2;
	s6 =	simm.s32 $0x108;
	_ =	swait.ge @!p0 [sflag:s8], $0x0  }
0x24: {  	s3 =	sadd.s32 $0x88, s3;
	s6 =	simm.s32 @!p1 $0x1082;
	[sflag:s4] =	ssyncset.s32 $0xFFFFF086  }
0x25: {  	[simem:s6], [sflag:s4] =	dma.local [hbm:s3], $0xF7A  }
0x26: {  	[smem:$0x3F9C] =	sst s1;
	(tag) =	ssettag s2;
	_ =	strace s9  }
0x27: {  	s1 =	sld [smem:$0x3FAC]  }
0x28: {  	s2 =	sld [smem:$0x3FAD]  }
0x29: {  	s4 =	sld [smem:$0x3FAF]  }
0x2a: {  	p0 =	seq.s32 s5, $0x0;
	s5 =	sld [smem:$0x3FB0]  }
0x2b: {  	s6 =	sld [smem:$0x3FB1]  }
0x2c: {  	s7 =	sld [smem:$0x3FB2]  }
0x2d: {  	s3 =	simm.s32 $0x108;
	s8 =	sld [smem:$0x3FB3]  }
0x2e: {  	s3 =	simm.s32 @!p0 $0x1082;
	s9 =	sld [smem:$0x3FB4]  }
0x2f: {  	lr =	sadd.s32 s0, s3;
	s0 =	sld [smem:$0x3FAB]  }
0x30: {  	s3 =	sld [smem:$0x3FAE]  }
0x31: {  	[smem:$0x3FB7] =	sst s10  }
0x32: {  	s10 =	sld [smem:$0x3FB5];
	_ =	sdelay $0x3  }
0x33: {  	p0 =	seq.s32 s10, $0x1;
	s10 =	sld [smem:$0x3FB7];
	_ =	sdelay $0x3  }
0x34: {  	[smem:$0x3FB7] =	sst s10  }
0x35: {  	s10 =	sld [smem:$0x3FB6];
	_ =	sdelay $0x3  }
0x36: {  	p1 =	seq.s32 s10, $0x1;
	s10 =	sld [smem:$0x3FB7];
	_ =	sdelay $0x3  }
0x37: {  	[smem:$0x3FB7] =	sst s10  }
0x38: {  	s10 =	sld [smem:$0x3FB8]  }
0x39: {  	_ = 	snop;
	(pc) =	sbr.ind lr, $3  }
0x3a: {  	_ = 	snop  }
0x3b: {  	_ = 	snop  }
0x3c: {  	p2 =	seq.s32 s10, $0x1;
	s10 =	sld [smem:$0x3FB7]  }
0x3d: {  	_ =	shalt  }
0x3e: {  	_ =	shalt  }
0x3f: {  	_ =	shalt  }
0x40: {  	_ =	shalt  }
0x41: {  	_ =	shalt  }
0x42: {  	_ =	shalt  }
0x43: {  	_ =	shalt  }
0x44: {  	_ =	shalt  }
0x45: {  	_ =	shalt  }
0x46: {  	_ =	shalt  }
0x47: {  	_ =	shalt  }
0x48: {  	_ =	shalt  }
0x49: {  	_ =	shalt  }
0x4a: {  	_ =	shalt  }
0x4b: {  	_ =	shalt  }
0x4c: {  	_ =	shalt  }
0x4d: {  	_ =	shalt  }
0x4e: {  	_ =	shalt  }
0x4f: {  	_ =	shalt  }
0x50: {  	_ =	shalt  }
0x51: {  	_ =	shalt  }
0x52: {  	_ =	shalt  }
0x53: {  	_ =	shalt  }
0x54: {  	_ =	shalt  }
0x55: {  	_ =	shalt  }
0x56: {  	_ =	shalt  }
0x57: {  	_ =	shalt  }
0x58: {  	_ =	shalt  }
0x59: {  	_ =	shalt  }
0x5a: {  	_ =	shalt  }
0x5b: {  	_ =	shalt  }
0x5c: {  	_ =	shalt  }
0x5d: {  	_ =	shalt  }
0x5e: {  	_ =	shalt  }
0x5f: {  	_ =	shalt  }
0x60: {  	_ =	shalt  }
0x61: {  	_ =	shalt  }
0x62: {  	_ =	shalt  }
0x63: {  	_ =	shalt  }
0x64: {  	_ =	shalt  }
0x65: {  	_ =	shalt  }
0x66: {  	_ =	shalt  }
0x67: {  	_ =	shalt  }
0x68: {  	_ =	shalt  }
0x69: {  	_ =	shalt  }
0x6a: {  	_ =	shalt  }
0x6b: {  	_ =	shalt  }
0x6c: {  	_ =	shalt  }
0x6d: {  	_ =	shalt  }
0x6e: {  	_ =	shalt  }
0x6f: {  	_ =	shalt  }
0x70: {  	_ =	shalt  }
0x71: {  	_ =	shalt  }
0x72: {  	_ =	shalt  }
0x73: {  	_ =	shalt  }
0x74: {  	_ =	shalt  }
0x75: {  	_ =	shalt  }
0x76: {  	_ =	shalt  }
0x77: {  	_ =	shalt  }
0x78: {  	_ =	shalt  }
0x79: {  	_ =	shalt  }
0x7a: {  	_ =	shalt  }
0x7b: {  	_ =	shalt  }
0x7c: {  	_ =	shalt  }
0x7d: {  	_ =	shalt  }
0x7e: {  	_ =	shalt  }
0x7f: {  	_ =	shalt  }
0x80: {  	_ =	shalt  }
0x81: {  	_ =	shalt  }
0x82: {  	_ =	shalt  }
0x83: {  	_ =	shalt  }
0x84: {  	_ =	shalt  }
0x85: {  	_ =	shalt  }
0x86: {  	_ =	shalt  }
0x87: {  	_ =	shalt  }
.Lfunc_end0:
.L_simem_size_0:
called_computation_lowered:
.L_overlay_start_0:
0x88: {  	s2 =	sld [smem:$0x3FD9]  }
0x89: {  	s3 =	sld [smem:$0x3FFE];
	_ =	sdelay $0x1  }
0x8a: {  	s1 =	srdreg.scid  }
0x8b: {  	s0 =	sand.u32 $0x1, s1  }
0x8c: {  	s17 =	sshll.u32 s0, $0xA;
	s2 =	sadd.s32 s3, s2  }
0x8d: {  	s2 =	sadd.s32 s2, s17  }
0x8e: {  	[smem:$0x3FC3] =	sst s2  }
0x8f: {  	_ = 	snop  }
0x90: {  	s2 =	sld [smem:$0x3FD0];
	(tm) =	ssettm $0x1  }
0x91: {  	s18 =	sld [smem:$0x3FFB];
	_ =	sdelay $0x3  }
0x92: {  	_ =	strace s18  }
0x93: {  	s3 =	sld [smem:$0x3FFC];
	_ =	sdelay $0x3  }
0x94: {  	_ =	strace s3  }
0x95: {  	s3 =	sld [smem:$0x3FFD];
	_ =	sdelay $0x3  }
0x96: {  	_ =	strace s3  }
0x97: {  	_ =	strace $0x8FFFFFFF  }
0x98: {  	s19 =	sld [smem:$0x3FDB];
	_ =	sdelay $0x1  }
0x99: {  	s4 =	simm.s32 $_scs_section_size  }
0x9a: {  	s5 =	simm.s32 $_size__tile_overlayer_lowered;
	s6 =	simm.s32 $_tile_overlayer_lowered  }
0x9b: {  	s22 =	simm.s32 $0x1BFF;
	s21 =	sshll.u32 s6, $0x1;
	s3 =	sadd.s32 s4, s19  }
0x9c: {  	s7 =	simm.s32 $0x0;
	s20 =	sshll.u32 s5, $0x1;
	s5 =	sadd.s32 s21, s3  }
0x9d: {  	[timem:s7], [sflag:s22] =	dma.local [hbm:s5], s20  }
0x9e: {  	_ =	swait.ge [sflag:s22], s20  }
0x9f: {  	s4 =	ssub.s32 $0x0, s20;
	[sflag:s22] =	ssyncset.done $0x0  }
0xa0: {  	[sflag:s22] =	ssyncadd.s32 s4;
	_ =	sdelay $0x1  }
0xa1: {  	s23 =	simm.s32 $0x1B8B  }
0xa2: {  	_ =	swait.ge [sflag:s23], $0x1  }
0xa3: {  	[sflag:s23] =	ssyncset.done $0x0  }
0xa4: {  	s25 =	simm.s32 $0x1B8E;
	s24 =	sld [smem:$0x3FFE];
	[sflag:s23] =	ssyncadd.s32 $0xFFFFFFFF  }
0xa5: {  	s26 =	simm.s32 $execute0_lowered;
	[smem:$0x3FD2] =	sst s25  }
0xa6: {  	s5 =	sshll.u32 s26, $0x1;
	_ =	strace $0x80000046;
	[dreg:$0x1] =	wrdreg $0xFFFFFFFF  }
0xa7: {  	s28 =	simm.s32 $_size_execute0_lowered;
	s3 =	sadd.s32 s3, s5;
	[dreg:$0x0] =	wrdreg $0x0  }
0xa8: {  	s5 =	sshll.u32 s28, $0x1;
	[dreg:$0x2] =	wrdreg s3  }
0xa9: {  	[dreg:$0x3] =	wrdreg s5  }
0xaa: {  	[dreg:$0x4] =	wrdreg $0xC0  }
0xab: {  	_ =	task [dreg:s7], $0x5FFFF  }
0xac: {  	[dreg:$0x1] =	wrdreg $0xFFFFFFFF  }
0xad: {  	[dreg:$0x0] =	wrdreg $0x60  }
0xae: {  	[dreg:$0x2] =	wrdreg s24  }
0xaf: {  	[dreg:$0x3] =	wrdreg s2  }
0xb0: {  	[dreg:$0x4] =	wrdreg $0xC0000  }
0xb1: {  	[dreg:$0x5] =	wrdreg $0x9  }
0xb2: {  	_ =	task.clear_ibuf [dreg:s7], $0x6FFFF;
	_ =	strace $0x90000046  }
0xb3: {  	s29 =	simm.s32 $0x9;
	_ =	strace $0x80000048  }
0xb4: {  	_ =	swait.ge [sflag:s29], $0x1  }
0xb5: {  	[sflag:s29] =	ssyncadd.s32 $0xFFFFFFFF  }
0xb6: {  	_ =	strace $0x90000048  }
0xb7: {  	_ =	sfence  }
0xb8: {  	s30 =	sld [smem:$0x0];
	_ =	sdelay $0x2  }
0xb9: {  	s31 =	sshll.u32 s1, $0xD;
	s1 =	sshrl.u32 s1, $0x2  }
0xba: {  	s3 =	sand.u32 $0x4000, s31;
	s1 =	sadd.s32 s1, s30  }
0xbb: {  	s0 =	sor.u32 s3, s0;
	s1 =	sshll.u32 s1, $0x11  }
0xbc: {  	s0 =	sor.u32 s1, s0  }
0xbd: {  	s0 =	sadd.s32 $0x8F2B, s0  }
0xbe: {  	[sflag:s0] =	ssyncadd.remote.s32 $0x1  }
0xbf: {  	_ =	sfence.sel $0xFFFF  }
0xc0: {  	[dreg:$0x0] =	wrdreg $0xFFFFFFFF;
	(pc) =	sbr.abs _section_cstart, $3  }
0xc1: {  	[dreg:$0x1] =	wrdreg $0xFFFFFFFF  }
0xc2: {  	_ =	task.clear_ibuf [dreg:s7], $0x2FFFF;
	_ =	strace $0x9FFFFFFF  }
0xc3: {  	(tm) =	ssettm $0x7FFFFFFF  }
tec
execute0_lowered:
.L_overlay_start_1:
0x0: {  	(tag) =	ssettag $0x1  }
0x1: {  	s0 =	rddreg [dreg:$0x0]  }
0x2: {  	s1 =	rddreg [dreg:$0x1]  }
0x3: {  	[dreg:$0x4] =	wrdreg s1  }
0x4: {  	s3 =	simm.s32 $0x0;
	s2 =	srdreg.scid;
	s1 =	rddreg [dreg:$0x2]  }
0x5: {  	s8 =	stileid.u32;
	[smem:$0x7FF] =	sst s3  }
0x6: {  	s2 =	sand.u32 $0x1, s2;
	s6 =	sadd.s32 $0x1200, s0;
	s7 =	smul.u32 $0x13C00, s8  }
0x7: {  	s4 =	sadd.s32 $0x1D200, s0;
	s10 =	sshll.u32 s8, $0x1;
	s11 =	smul.u32 $0x4F000, s8  }
0x8: {  	s5 =	smul.u32 $0x13C000, s2;
	s12 =	ssub.s32 $0x2, s2;
	s2 =	sor.u32 s2, s10  }
0x9: {  	_ =	strace $0x80000047;
	[dreg:$0x5] =	wrdreg s6;
	s2 =	smul.u32 $0x7000, s2  }
0xa: {  	s13 =	sshrl.u32 s12, $0x1;
	s5 =	sadd.s32 s7, s5;
	s7 =	sshrl.u32 s11, $0x2  }
0xb: {  	s6 =	ssub.s32 s12, s13;
	s5 =	sshrl.u32 s5, $0x3;
	[dreg:$0x6] =	wrdreg s2  }
0xc: {  	s14 =	smax.u32 s6, $0x1;
	s0 =	sadd.s32 s5, s0;
	s5 =	sadd.s32 s7, s1  }
0xd: {  	[dreg:$0x9] =	wrdreg s14;
	s7 =	sadd.s32 $0x13800, s5  }
0xe: {  	s0 =	sadd.s32 $0x43BE00, s0;
	[dreg:$0x7] =	wrdreg s7  }
0xf: {  	s15 =	sadd.s32 $0x1800, s5;
	[dreg:$0x8] =	wrdreg s0  }
0x10: {  	s16 =	sadd.s32 $0x3000, s5;
	[dreg:$0xa] =	wrdreg s15  }
0x11: {  	s17 =	sadd.s32 $0x4800, s5;
	[dreg:$0xb] =	wrdreg s16  }
0x12: {  	s18 =	sadd.s32 $0x6000, s5;
	[dreg:$0xc] =	wrdreg s17  }
0x13: {  	s19 =	sadd.s32 $0x7800, s5;
	[dreg:$0xd] =	wrdreg s18  }
0x14: {  	s28 =	simm.s32 $0x2;
	s20 =	sadd.s32 $0x9000, s5;
	[dreg:$0xe] =	wrdreg s19  }
0x15: {  	s29 =	simm.s32 $0x3;
	s21 =	sadd.s32 $0xA800, s5;
	[dreg:$0xf] =	wrdreg s20  }
0x16: {  	s30 =	simm.s32 $0x7800;
	s22 =	sadd.s32 $0xC000, s5;
	[dreg:$0x10] =	wrdreg s21  }
0x17: {  	s31 =	simm.s32 $0x9000;
	s23 =	sadd.s32 $0xD800, s5;
	[dreg:$0x11] =	wrdreg s22  }
0x18: {  	s13 =	simm.s32 $0xC;
	s24 =	sadd.s32 $0xF000, s5;
	[dreg:$0x12] =	wrdreg s23  }
0x19: {  	s2 =	simm.s32 $0x4;
	s25 =	sadd.s32 $0x10800, s5;
	[dreg:$0x13] =	wrdreg s24  }
0x1a: {  	s6 =	simm.s32 $0x5;
	s26 =	sadd.s32 $0x12000, s5;
	[dreg:$0x14] =	wrdreg s25  }
0x1b: {  	[dreg:$0x15] =	wrdreg s26;
	s21 =	simm.s32 $0x3000;
	s22 =	simm.s32 $0xD  }
0x1c: {  	s23 =	simm.s32 $0x30;
	s24 =	simm.s32 $0x4800;
	s25 =	simm.s32 $0x6000  }
0x1d: {  	v0 =	vimm.f32 $0.0e+00;
	s26 =	simm.s32 $0x1;
	s0 =	simm.s32 $0xA800;
	s7 =	simm.s32 $0x6  }
.LBB2_1:
0x1e: {  	s14 =	simm.s32 $0x0;
	s15 =	simm.s32 $0x200  }
.LBB2_2:
0x1f: {  	p0 =	sne.s32 s15, $0x5E00;
	[tilespmem:s14+$0x3070] =	vst v0  }
0x20: {  	[tilespmem:s14+$0x3000] =	vst v0  }
0x21: {  	[tilespmem:s14+$0x3010] =	vst v0  }
.Ltmp0:
0x22: {  	[tilespmem:s14+$0x3020] =	vst v0;
	(pc) =	sbr.rel @p0 .LBB2_2-.Ltmp0, $4  }
0x23: {  	[tilespmem:s14+$0x3030] =	vst v0  }
0x24: {  	[tilespmem:s14+$0x3040] =	vst v0  }
0x25: {  	[tilespmem:s14+$0x3050] =	vst v0  }
0x26: {  	[tilespmem:s14+$0x3060] =	vst v0;
	s14 =	sshra.s32 s15, $0x2;
	s15 =	sadd.s32 $0x200, s15  }
0x27: {  	[tilespmem:s14+$0x3070] =	vst v0  }
0x28: {  	[tilespmem:s14+$0x3000] =	vst v0  }
0x29: {  	[tilespmem:s14+$0x3010] =	vst v0  }
0x2a: {  	[tilespmem:s14+$0x3020] =	vst v0  }
0x2b: {  	[tilespmem:s14+$0x3030] =	vst v0  }
0x2c: {  	[tilespmem:s14+$0x3040] =	vst v0  }
0x2d: {  	[tilespmem:s14+$0x3050] =	vst v0  }
0x2e: {  	[tilespmem:s14+$0x3060] =	vst v0  }
0x2f: {  	[spmem:s5] =	stream.linear.scatter [tilespmem:s21], [sflag:$0xD], $0x1800, $0x38;
	[tilespmem:$0x1FC00] =	vst v63  }
0x30: {  	_ =	swait.ge [sflag:s22], $0x1800  }
0x31: {  	[sflag:s22] =	ssyncset.done $0x0  }
0x32: {  	s8 =	rddreg [dreg:$0xa];
	[sflag:s22] =	ssyncadd.s32 $0xFFFFE800  }
0x33: {  	[spmem:s8] =	stream.linear.scatter [tilespmem:s21], [sflag:$0xD], $0x1800, $0x38;
	[tilespmem:$0x1FC00] =	vst v63  }
0x34: {  	_ =	swait.ge [sflag:s22], $0x1800  }
0x35: {  	[sflag:s22] =	ssyncset.done $0x0  }
0x36: {  	s20 =	rddreg [dreg:$0xb];
	[sflag:s22] =	ssyncadd.s32 $0xFFFFE800  }
0x37: {  	[spmem:s20] =	stream.linear.scatter [tilespmem:s21], [sflag:$0xD], $0x1800, $0x38;
	[tilespmem:$0x1FC00] =	vst v63  }
0x38: {  	_ =	swait.ge [sflag:s22], $0x1800  }
0x39: {  	[sflag:s22] =	ssyncset.done $0x0  }
0x3a: {  	s9 =	rddreg [dreg:$0xc];
	[sflag:s22] =	ssyncadd.s32 $0xFFFFE800  }
0x3b: {  	[spmem:s9] =	stream.linear.scatter [tilespmem:s21], [sflag:$0xD], $0x1800, $0x38;
	[tilespmem:$0x1FC00] =	vst v63  }
0x3c: {  	_ =	swait.ge [sflag:s22], $0x1800  }
0x3d: {  	[sflag:s22] =	ssyncset.done $0x0  }
0x3e: {  	s10 =	rddreg [dreg:$0xd];
	[sflag:s22] =	ssyncadd.s32 $0xFFFFE800  }
0x3f: {  	[spmem:s10] =	stream.linear.scatter [tilespmem:s21], [sflag:$0xD], $0x1800, $0x38;
	[tilespmem:$0x1FC00] =	vst v63  }
0x40: {  	_ =	swait.ge [sflag:s22], $0x1800  }
0x41: {  	[sflag:s22] =	ssyncset.done $0x0  }
0x42: {  	s11 =	rddreg [dreg:$0xe];
	[sflag:s22] =	ssyncadd.s32 $0xFFFFE800  }
0x43: {  	[spmem:s11] =	stream.linear.scatter [tilespmem:s21], [sflag:$0xD], $0x1800, $0x38;
	[tilespmem:$0x1FC00] =	vst v63  }
0x44: {  	_ =	swait.ge [sflag:s22], $0x1800  }
0x45: {  	[sflag:s22] =	ssyncset.done $0x0  }
0x46: {  	s12 =	rddreg [dreg:$0xf];
	[sflag:s22] =	ssyncadd.s32 $0xFFFFE800  }
0x47: {  	[spmem:s12] =	stream.linear.scatter [tilespmem:s21], [sflag:$0xD], $0x1800, $0x38;
	[tilespmem:$0x1FC00] =	vst v63  }
0x48: {  	_ =	swait.ge [sflag:s22], $0x1800  }
0x49: {  	[sflag:s22] =	ssyncset.done $0x0  }
0x4a: {  	s14 =	rddreg [dreg:$0x10];
	[sflag:s22] =	ssyncadd.s32 $0xFFFFE800  }
0x4b: {  	[spmem:s14] =	stream.linear.scatter [tilespmem:s21], [sflag:$0xD], $0x1800, $0x38;
	[tilespmem:$0x1FC00] =	vst v63  }
0x4c: {  	_ =	swait.ge [sflag:s22], $0x1800  }
0x4d: {  	[sflag:s22] =	ssyncset.done $0x0  }
0x4e: {  	s15 =	rddreg [dreg:$0x11];
	[sflag:s22] =	ssyncadd.s32 $0xFFFFE800  }
0x4f: {  	[spmem:s15] =	stream.linear.scatter [tilespmem:s21], [sflag:$0xD], $0x1800, $0x38;
	[tilespmem:$0x1FC00] =	vst v63  }
0x50: {  	_ =	swait.ge [sflag:s22], $0x1800  }
0x51: {  	[sflag:s22] =	ssyncset.done $0x0  }
0x52: {  	s16 =	rddreg [dreg:$0x12];
	[sflag:s22] =	ssyncadd.s32 $0xFFFFE800  }
0x53: {  	[spmem:s16] =	stream.linear.scatter [tilespmem:s21], [sflag:$0xD], $0x1800, $0x38;
	[tilespmem:$0x1FC00] =	vst v63  }
0x54: {  	_ =	swait.ge [sflag:s22], $0x1800  }
0x55: {  	[sflag:s22] =	ssyncset.done $0x0  }
0x56: {  	s17 =	rddreg [dreg:$0x13];
	[sflag:s22] =	ssyncadd.s32 $0xFFFFE800  }
0x57: {  	[spmem:s17] =	stream.linear.scatter [tilespmem:s21], [sflag:$0xD], $0x1800, $0x38;
	[tilespmem:$0x1FC00] =	vst v63  }
0x58: {  	_ =	swait.ge [sflag:s22], $0x1800  }
0x59: {  	[sflag:s22] =	ssyncset.done $0x0  }
0x5a: {  	s18 =	rddreg [dreg:$0x14];
	[sflag:s22] =	ssyncadd.s32 $0xFFFFE800  }
0x5b: {  	[spmem:s18] =	stream.linear.scatter [tilespmem:s21], [sflag:$0xD], $0x1800, $0x38;
	[tilespmem:$0x1FC00] =	vst v63  }
0x5c: {  	_ =	swait.ge [sflag:s22], $0x1800  }
0x5d: {  	[sflag:s22] =	ssyncset.done $0x0  }
0x5e: {  	s19 =	rddreg [dreg:$0x15];
	[sflag:s22] =	ssyncadd.s32 $0xFFFFE800  }
0x5f: {  	[spmem:s19] =	stream.linear.scatter [tilespmem:s21], [sflag:$0xD], $0x1800, $0x38;
	[tilespmem:$0x1FC00] =	vst v63  }
0x60: {  	_ =	swait.ge [sflag:s22], $0x1800  }
0x61: {  	[sflag:s22] =	ssyncset.done $0x0  }
0x62: {  	s20 =	rddreg [dreg:$0x7];
	[sflag:s22] =	ssyncadd.s32 $0xFFFFE800  }
0x63: {  	[spmem:s20] =	stream.linear.scatter [tilespmem:s21], [sflag:$0xD], $0x400, $0x38;
	[tilespmem:$0x1FC00] =	vst v63  }
0x64: {  	_ =	swait.ge [sflag:s22], $0x400  }
0x65: {  	[sflag:s22] =	ssyncset.done $0x0  }
0x66: {  	p0 =	por $0x1, $0x1;
	[sflag:s22] =	ssyncadd.s32 $0xFFFFFC00  }
0x67: {  	s14 =	simm.s32 @!p0 $0x7;
	[bflag:$0x0] =	sbarrier.arrive $0xFFFF  }
0x68: {  	_ =	swait.ge @!p0 [sflag:s14], $0x1800  }
0x69: {  	s15 =	simm.s32 $0x0;
	[sflag:s14] =	ssyncset.done @!p0 $0x0  }
0x6a: {  	[sflag:s14] =	ssyncadd.s32 @!p0 $0xFFFFE800;
	s14 =	smulhi.u32 $0xCCCCCCCD, s15  }
0x6b: {  	s16 =	simm.s32 @!p0 $0x8  }
0x6c: {  	s15 =	smul.u32 $0xCD, s15;
	_ =	swait.ge @!p0 [sflag:s16], $0x1800;
	s17 =	sshrl.u32 s14, $0x2  }
0x6d: {  	[sflag:s16] =	ssyncset.done @!p0 $0x0;
	s9 =	smul.u32 $0x3C00, s17  }
0x6e: {  	s18 =	simm.s32 @!p0 $0x9;
	s15 =	sshrl.u32 s15, $0xA;
	[sflag:s16] =	ssyncadd.s32 @!p0 $0xFFFFE800  }
0x6f: {  	s20 =	sand.u32 $0x3F, s15;
	_ =	swait.ge @!p0 [sflag:s18], $0x1800;
	p1 =	sne.s32 s9, $0x0  }
0x70: {  	s19 =	rddreg [dreg:$0x6];
	s20 =	sshll.u32 @!p1 s20, $0xC  }
0x71: {  	[sflag:s18] =	ssyncset.done @!p0 $0x0;
	s19 =	sadd.s32 @!p1 s19, s20  }
0x72: {  	s8 =	rddreg [dreg:$0x4];
	[sflag:s18] =	ssyncadd.s32 @!p0 $0xFFFFE800;
	s18 =	sshrl.u32 @!p1 s19, $0x3  }
0x73: {  	s20 =	simm.s32 @!p1 $0xD;
	s19 =	simm.s32 @!p1 $0x0;
	s8 =	sadd.s32 @!p1 s8, s18  }
0x74: {  	[tilespmem:s19], [sflag:$0xD] =	stream.linear.gather @!p1 [hbm4b:s8+s19], $0xF00, $0x38;
	[tilespmem:$0x1FC00] =	vst v63  }
0x75: {  	s15 =	sand.u32 $0x1, s15;
	s10 =	smul.u32 $0xFFFFC400, s17;
	_ =	swait.ge @!p1 [sflag:s20], $0xF00  }
0x76: {  	s15 =	sshll.u32 @!p1 s15, $0xC;
	s8 =	rddreg [dreg:$0x5];
	[sflag:s20] =	ssyncset.done @!p1 $0x0  }
0x77: {  	s15 =	sadd.s32 @!p1 $0x1000, s15;
	s8 =	sadd.s32 @!p1 s8, s18;
	[sflag:s20] =	ssyncadd.s32 @!p1 $0xFFFFF100  }
0x78: {  	[tilespmem:s15], [sflag:$0xD] =	stream.linear.gather @!p1 [hbm4b:s8+s19], $0xF00, $0x38;
	[tilespmem:$0x1FC00] =	vst v63  }
0x79: {  	_ =	swait.ge @!p1 [sflag:s20], $0xF00  }
0x7a: {  	s8 =	sshra.s32 s10, $0x2;
	[sflag:s20] =	ssyncset.done @!p1 $0x0  }
0x7b: {  	s8 =	sadd.s32 $0x0, s8;
	[sflag:s20] =	ssyncadd.s32 @!p1 $0xFFFFF100  }
0x7c: {  	[tilespmem:s21], [sflag:$0x1] =	stream.indirect.gather [hbm4b:s4+s23], $0x80, s8, s23, $0xb8;
	[tilespmem:$0x1FC00] =	vst v63  }
0x7d: {  	s11 =	sadd.s32 $0x80, s8  }
0x7e: {  	[tilespmem:s24], [sflag:$0x2] =	stream.indirect.gather [hbm4b:s4+s23], $0x80, s11, s23, $0xb8;
	[tilespmem:$0x1FC00] =	vst v63  }
0x7f: {  	s15 =	simm.s32 @!p0 $0xA;
	s12 =	sadd.s32 $0x100, s8  }
0x80: {  	[tilespmem:s25], [sflag:$0x3] =	stream.indirect.gather [hbm4b:s4+s23], $0x80, s12, s23, $0xb8;
	[tilespmem:$0x1FC00] =	vst v63  }
0x81: {  	_ =	swait.ge @!p0 [sflag:s15], $0x1800  }
0x82: {  	[sflag:s15] =	ssyncset.done @!p0 $0x0  }
0x83: {  	[sflag:s15] =	ssyncadd.s32 @!p0 $0xFFFFE800;
	s15 =	simm.s32 @!p0 $0xB  }
0x84: {  	_ =	swait.ge @!p0 [sflag:s15], $0x1800  }
0x85: {  	[sflag:s15] =	ssyncset.done @!p0 $0x0  }
0x86: {  	[sflag:s15] =	ssyncadd.s32 @!p0 $0xFFFFE800;
	s15 =	simm.s32 @!p0 $0xC  }
0x87: {  	s14 =	sshll.u32 s14, $0xC;
	_ =	swait.ge @!p0 [sflag:s15], $0x1800  }
0x88: {  	s14 =	sand.u32 $0x4000, s14;
	[sflag:s15] =	ssyncset.done @!p0 $0x0  }
0x89: {  	s14 =	ssub.s32 s14, s9;
	[sflag:s15] =	ssyncadd.s32 @!p0 $0xFFFFE800  }
0x8a: {  	s14 =	sshra.s32 s14, $0x2;
	_ =	swait.ge [sflag:s26], $0x1800  }
0x8b: {  	s14 =	sadd.s32 $0x1000, s14;
	[sflag:s26] =	ssyncset.done $0x0  }
0x8c: {  	s17 =	sadd.s32 $0x0, s14;
	[sflag:s26] =	ssyncadd.s32 $0xFFFFE800  }
0x8d: {  	[spmem:s1] =	stream.indirect.scatter.add.f32 [tilespmem:s21], [sflag:$0x7], $0x80, s17, s23, $0xb8;
	[tilespmem:$0x1FC00] =	vst v63  }
0x8e: {  	_ =	swait.ge [sflag:s28], $0x1800  }
0x8f: {  	[sflag:s28] =	ssyncset.done $0x0  }
0x90: {  	s14 =	sadd.s32 $0x80, s17;
	[sflag:s28] =	ssyncadd.s32 $0xFFFFE800  }
0x91: {  	[spmem:s1] =	stream.indirect.scatter.add.f32 [tilespmem:s24], [sflag:$0x8], $0x80, s14, s23, $0xb8;
	[tilespmem:$0x1FC00] =	vst v63  }
0x92: {  	_ =	swait.ge [sflag:s29], $0x1800  }
0x93: {  	[sflag:s29] =	ssyncset.done $0x0  }
0x94: {  	s15 =	sadd.s32 $0x100, s17;
	[sflag:s29] =	ssyncadd.s32 $0xFFFFE800  }
0x95: {  	[spmem:s1] =	stream.indirect.scatter.add.f32 [tilespmem:s25], [sflag:$0x9], $0x80, s15, s23, $0xb8;
	[tilespmem:$0x1FC00] =	vst v63  }
0x96: {  	s16 =	sadd.s32 $0x180, s8  }
0x97: {  	[tilespmem:s30], [sflag:$0x4] =	stream.indirect.gather [hbm4b:s4+s23], $0x80, s16, s23, $0xb8;
	[tilespmem:$0x1FC00] =	vst v63  }
0x98: {  	s18 =	sadd.s32 $0x200, s8  }
0x99: {  	[tilespmem:s31], [sflag:$0x5] =	stream.indirect.gather [hbm4b:s4+s23], $0x80, s18, s23, $0xb8;
	[tilespmem:$0x1FC00] =	vst v63  }
0x9a: {  	s8 =	sadd.s32 $0x280, s8  }
0x9b: {  	[tilespmem:s0], [sflag:$0x6] =	stream.indirect.gather [hbm4b:s4+s23], $0x80, s8, s23, $0xb8;
	[tilespmem:$0x1FC00] =	vst v63  }
0x9c: {  	_ =	swait.ge [sflag:s2], $0x1800  }
0x9d: {  	[sflag:s2] =	ssyncset.done $0x0  }
0x9e: {  	s19 =	sadd.s32 $0x180, s17;
	[sflag:s2] =	ssyncadd.s32 $0xFFFFE800  }
0x9f: {  	[spmem:s1] =	stream.indirect.scatter.add.f32 [tilespmem:s30], [sflag:$0xA], $0x80, s19, s23, $0xb8;
	[tilespmem:$0x1FC00] =	vst v63  }
0xa0: {  	_ =	swait.ge [sflag:s6], $0x1800  }
0xa1: {  	s20 =	sadd.s32 $0x200, s17;
	[sflag:s6] =	ssyncset.done $0x0  }
0xa2: {  	p0 =	por $0x0, $0x0;
	s14 =	simm.s32 $0xC00;
	[sflag:s6] =	ssyncadd.s32 $0xFFFFE800  }
0xa3: {  	[spmem:s1] =	stream.indirect.scatter.add.f32 [tilespmem:s31], [sflag:$0xB], $0x80, s20, s23, $0xb8;
	[tilespmem:$0x1FC00] =	vst v63  }
0xa4: {  	s15 =	simm.s32 $0x1;
	s16 =	simm.s32 $0x1800;
	_ =	swait.ge [sflag:s7], $0x1800  }
.LBB2_4:
0xa5: {  	[sflag:s7] =	ssyncset.done $0x0  }
0xa6: {  	s8 =	simm.s32 @!p0 $0x7;
	s17 =	sadd.s32 $0x280, s17;
	[sflag:s7] =	ssyncadd.s32 $0xFFFFE800  }
0xa7: {  	[spmem:s1] =	stream.indirect.scatter.add.f32 [tilespmem:s0], [sflag:$0xC], $0x80, s17, s23, $0xb8;
	[tilespmem:$0x1FC00] =	vst v63  }
0xa8: {  	_ =	swait.ge @!p0 [sflag:s8], $0x1800  }
0xa9: {  	[sflag:s8] =	ssyncset.done @!p0 $0x0  }
0xaa: {  	s19 =	smulhi.u32 $0xCCCCCCCD, s15;
	s17 =	simm.s32 @!p0 $0x8;
	[sflag:s8] =	ssyncadd.s32 @!p0 $0xFFFFE800  }
0xab: {  	_ =	swait.ge @!p0 [sflag:s17], $0x1800  }
0xac: {  	s12 =	smul.u32 $0xCD, s15;
	s20 =	sshrl.u32 s19, $0x2;
	[sflag:s17] =	ssyncset.done @!p0 $0x0  }
0xad: {  	s9 =	simm.s32 @!p0 $0x9;
	[sflag:s17] =	ssyncadd.s32 @!p0 $0xFFFFE800;
	s17 =	smul.u32 $0x3C00, s20  }
0xae: {  	s19 =	sshll.u32 s19, $0xC;
	s8 =	sshrl.u32 s12, $0xA;
	_ =	swait.ge @!p0 [sflag:s9], $0x1800  }
0xaf: {  	s10 =	sand.u32 $0x3F, s8;
	[sflag:s9] =	ssyncset.done @!p0 $0x0;
	p2 =	sne.s32 s17, s14  }
0xb0: {  	s11 =	rddreg [dreg:$0x6];
	[sflag:s9] =	ssyncadd.s32 @!p0 $0xFFFFE800;
	s9 =	sshll.u32 @!p2 s10, $0xC  }
0xb1: {  	s19 =	sand.u32 $0x4000, s19;
	s12 =	rddreg [dreg:$0x4];
	s9 =	sadd.s32 @!p2 s11, s9  }
0xb2: {  	s10 =	smul.u32 $0xFFFFC400, s20;
	s20 =	ssub.s32 s19, s17;
	s9 =	sshrl.u32 @!p2 s9, $0x3  }
0xb3: {  	s17 =	simm.s32 @!p2 $0x0;
	s19 =	simm.s32 @!p2 $0xD;
	s12 =	sadd.s32 @!p2 s12, s9  }
0xb4: {  	[tilespmem:s17], [sflag:$0xD] =	stream.linear.gather @!p2 [hbm4b:s12+s17], $0xF00, $0x38;
	[tilespmem:$0x1FC00] =	vst v63  }
0xb5: {  	s8 =	sand.u32 $0x1, s8;
	_ =	swait.ge @!p2 [sflag:s19], $0xF00  }
0xb6: {  	s8 =	sshll.u32 @!p2 s8, $0xC;
	[sflag:s19] =	ssyncset.done @!p2 $0x0;
	s12 =	rddreg [dreg:$0x5]  }
0xb7: {  	s8 =	sadd.s32 @!p2 $0x1000, s8;
	[sflag:s19] =	ssyncadd.s32 @!p2 $0xFFFFF100;
	s9 =	sadd.s32 @!p2 s12, s9  }
0xb8: {  	[tilespmem:s8], [sflag:$0xD] =	stream.linear.gather @!p2 [hbm4b:s9+s17], $0xF00, $0x38;
	[tilespmem:$0x1FC00] =	vst v63  }
0xb9: {  	s18 =	smov.u32 s16;
	_ =	swait.ge @!p2 [sflag:s19], $0xF00  }
0xba: {  	s10 =	sshra.s32 s10, $0x2;
	s17 =	sshra.s32 s14, $0x2;
	[sflag:s19] =	ssyncset.done @!p2 $0x0  }
0xbb: {  	s14 =	smov.u32 s18;
	s18 =	sadd.s32 s17, s10;
	[sflag:s19] =	ssyncadd.s32 @!p2 $0xFFFFF100  }
0xbc: {  	[tilespmem:s21], [sflag:$0x1] =	stream.indirect.gather [hbm4b:s4+s23], $0x80, s18, s23, $0xb8;
	[tilespmem:$0x1FC00] =	vst v63  }
0xbd: {  	s19 =	sadd.s32 $0x80, s18  }
0xbe: {  	[tilespmem:s24], [sflag:$0x2] =	stream.indirect.gather [hbm4b:s4+s23], $0x80, s19, s23, $0xb8;
	[tilespmem:$0x1FC00] =	vst v63  }
0xbf: {  	s11 =	sshra.s32 s20, $0x2;
	s10 =	simm.s32 @!p0 $0xA;
	s20 =	sadd.s32 $0x100, s18  }
0xc0: {  	[tilespmem:s25], [sflag:$0x3] =	stream.indirect.gather [hbm4b:s4+s23], $0x80, s20, s23, $0xb8;
	[tilespmem:$0x1FC00] =	vst v63  }
0xc1: {  	_ =	swait.ge @!p0 [sflag:s10], $0x1800  }
0xc2: {  	[sflag:s10] =	ssyncset.done @!p0 $0x0  }
0xc3: {  	s9 =	simm.s32 @!p0 $0xB;
	[sflag:s10] =	ssyncadd.s32 @!p0 $0xFFFFE800  }
0xc4: {  	_ =	swait.ge @!p0 [sflag:s9], $0x1800  }
0xc5: {  	[sflag:s9] =	ssyncset.done @!p0 $0x0  }
0xc6: {  	s10 =	simm.s32 @!p0 $0xC;
	[sflag:s9] =	ssyncadd.s32 @!p0 $0xFFFFE800  }
0xc7: {  	_ =	swait.ge @!p0 [sflag:s10], $0x1800  }
0xc8: {  	[sflag:s10] =	ssyncset.done @!p0 $0x0  }
0xc9: {  	[sflag:s10] =	ssyncadd.s32 @!p0 $0xFFFFE800  }
0xca: {  	_ =	swait.ge [sflag:s26], $0x1800  }
0xcb: {  	s11 =	sadd.s32 $0x1000, s11;
	[sflag:s26] =	ssyncset.done $0x0  }
0xcc: {  	s17 =	sadd.s32 s17, s11;
	[sflag:s26] =	ssyncadd.s32 $0xFFFFE800  }
0xcd: {  	[spmem:s1] =	stream.indirect.scatter.add.f32 [tilespmem:s21], [sflag:$0x7], $0x80, s17, s23, $0xb8;
	[tilespmem:$0x1FC00] =	vst v63  }
0xce: {  	_ =	swait.ge [sflag:s28], $0x1800  }
0xcf: {  	[sflag:s28] =	ssyncset.done $0x0  }
0xd0: {  	s8 =	sadd.s32 $0x80, s17;
	[sflag:s28] =	ssyncadd.s32 $0xFFFFE800  }
0xd1: {  	[spmem:s1] =	stream.indirect.scatter.add.f32 [tilespmem:s24], [sflag:$0x8], $0x80, s8, s23, $0xb8;
	[tilespmem:$0x1FC00] =	vst v63  }
0xd2: {  	_ =	swait.ge [sflag:s29], $0x1800  }
0xd3: {  	[sflag:s29] =	ssyncset.done $0x0  }
0xd4: {  	s10 =	sadd.s32 $0x100, s17;
	[sflag:s29] =	ssyncadd.s32 $0xFFFFE800  }
0xd5: {  	[spmem:s1] =	stream.indirect.scatter.add.f32 [tilespmem:s25], [sflag:$0x9], $0x80, s10, s23, $0xb8;
	[tilespmem:$0x1FC00] =	vst v63  }
0xd6: {  	s11 =	sadd.s32 $0x180, s18  }
0xd7: {  	[tilespmem:s30], [sflag:$0x4] =	stream.indirect.gather [hbm4b:s4+s23], $0x80, s11, s23, $0xb8;
	[tilespmem:$0x1FC00] =	vst v63  }
0xd8: {  	s12 =	sadd.s32 $0x200, s18  }
0xd9: {  	[tilespmem:s31], [sflag:$0x5] =	stream.indirect.gather [hbm4b:s4+s23], $0x80, s12, s23, $0xb8;
	[tilespmem:$0x1FC00] =	vst v63  }
0xda: {  	s18 =	sadd.s32 $0x280, s18  }
0xdb: {  	[tilespmem:s0], [sflag:$0x6] =	stream.indirect.gather [hbm4b:s4+s23], $0x80, s18, s23, $0xb8;
	[tilespmem:$0x1FC00] =	vst v63  }
0xdc: {  	_ =	swait.ge [sflag:s2], $0x1800  }
0xdd: {  	s16 =	sadd.s32 $0xC00, s16;
	[sflag:s2] =	ssyncset.done $0x0  }
0xde: {  	p1 =	sne.s32 s16, $0x1A400;
	s19 =	sadd.s32 $0x180, s17;
	[sflag:s2] =	ssyncadd.s32 $0xFFFFE800  }
0xdf: {  	[spmem:s1] =	stream.indirect.scatter.add.f32 [tilespmem:s30], [sflag:$0xA], $0x80, s19, s23, $0xb8;
	[tilespmem:$0x1FC00] =	vst v63  }
.Ltmp1:
0xe0: {  	_ =	swait.ge [sflag:s6], $0x1800;
	(pc) =	sbr.rel @p1 .LBB2_4-.Ltmp1, $4  }
0xe1: {  	[sflag:s6] =	ssyncset.done $0x0  }
0xe2: {  	s20 =	sadd.s32 $0x200, s17;
	[sflag:s6] =	ssyncadd.s32 $0xFFFFE800  }
0xe3: {  	[spmem:s1] =	stream.indirect.scatter.add.f32 [tilespmem:s31], [sflag:$0xB], $0x80, s20, s23, $0xb8;
	[tilespmem:$0x1FC00] =	vst v63  }
0xe4: {  	s15 =	sadd.s32 $0x1, s15;
	p0 =	seq.s32 s14, $0x0;
	_ =	swait.ge [sflag:s7], $0x1800  }
0xe5: {  	[sflag:s7] =	ssyncset.done $0x0  }
0xe6: {  	s8 =	simm.s32 @!p0 $0x7;
	s9 =	sadd.s32 $0x280, s17;
	[sflag:s7] =	ssyncadd.s32 $0xFFFFE800  }
0xe7: {  	[spmem:s1] =	stream.indirect.scatter.add.f32 [tilespmem:s0], [sflag:$0xC], $0x80, s9, s23, $0xb8;
	[tilespmem:$0x1FC00] =	vst v63  }
0xe8: {  	_ =	swait.ge @!p0 [sflag:s8], $0x1800  }
0xe9: {  	[sflag:s8] =	ssyncset.done @!p0 $0x0  }
0xea: {  	s9 =	simm.s32 @!p0 $0x8;
	[sflag:s8] =	ssyncadd.s32 @!p0 $0xFFFFE800;
	s8 =	smulhi.u32 $0xCCCCCCCD, s15  }
0xeb: {  	_ =	swait.ge @!p0 [sflag:s9], $0x1800  }
0xec: {  	s10 =	smul.u32 $0xCD, s15;
	[sflag:s9] =	ssyncset.done @!p0 $0x0;
	s11 =	sshrl.u32 s8, $0x2  }
0xed: {  	[sflag:s9] =	ssyncadd.s32 @!p0 $0xFFFFE800;
	s9 =	smul.u32 $0x3C00, s11  }
0xee: {  	s12 =	simm.s32 @!p0 $0x9;
	s10 =	sshrl.u32 s10, $0xA  }
0xef: {  	s16 =	sand.u32 $0x3F, s10;
	_ =	swait.ge @!p0 [sflag:s12], $0x1800;
	p1 =	sne.s32 s9, s14  }
0xf0: {  	s15 =	rddreg [dreg:$0x6];
	s16 =	sshll.u32 @!p1 s16, $0xC  }
0xf1: {  	[sflag:s12] =	ssyncset.done @!p0 $0x0;
	s15 =	sadd.s32 @!p1 s15, s16  }
0xf2: {  	s17 =	rddreg [dreg:$0x4];
	[sflag:s12] =	ssyncadd.s32 @!p0 $0xFFFFE800;
	s12 =	sshrl.u32 @!p1 s15, $0x3  }
0xf3: {  	s16 =	simm.s32 @!p1 $0x0;
	s15 =	sadd.s32 @!p1 s17, s12;
	s17 =	simm.s32 @!p1 $0xD  }
0xf4: {  	[tilespmem:s16], [sflag:$0xD] =	stream.linear.gather @!p1 [hbm4b:s15+s16], $0xF00, $0x38;
	[tilespmem:$0x1FC00] =	vst v63  }
0xf5: {  	s10 =	sand.u32 $0x1, s10;
	s18 =	smul.u32 $0xFFFFC400, s11;
	_ =	swait.ge @!p1 [sflag:s17], $0xF00  }
0xf6: {  	s10 =	sshll.u32 @!p1 s10, $0xC;
	s15 =	rddreg [dreg:$0x5];
	[sflag:s17] =	ssyncset.done @!p1 $0x0  }
0xf7: {  	s10 =	sadd.s32 @!p1 $0x1000, s10;
	s12 =	sadd.s32 @!p1 s15, s12;
	[sflag:s17] =	ssyncadd.s32 @!p1 $0xFFFFF100  }
0xf8: {  	[tilespmem:s10], [sflag:$0xD] =	stream.linear.gather @!p1 [hbm4b:s12+s16], $0xF00, $0x38;
	[tilespmem:$0x1FC00] =	vst v63  }
0xf9: {  	_ =	swait.ge @!p1 [sflag:s17], $0xF00  }
0xfa: {  	s19 =	sshra.s32 s14, $0x2;
	s10 =	sshra.s32 s18, $0x2;
	[sflag:s17] =	ssyncset.done @!p1 $0x0  }
0xfb: {  	s10 =	sadd.s32 s19, s10;
	[sflag:s17] =	ssyncadd.s32 @!p1 $0xFFFFF100  }
0xfc: {  	[tilespmem:s21], [sflag:$0x1] =	stream.indirect.gather [hbm4b:s4+s23], $0x80, s10, s23, $0xb8;
	[tilespmem:$0x1FC00] =	vst v63  }
0xfd: {  	s20 =	sadd.s32 $0x80, s10  }
0xfe: {  	[tilespmem:s24], [sflag:$0x2] =	stream.indirect.gather [hbm4b:s4+s23], $0x80, s20, s23, $0xb8;
	[tilespmem:$0x1FC00] =	vst v63  }
0xff: {  	s12 =	simm.s32 @!p0 $0xA;
	s14 =	sadd.s32 $0x100, s10  }
0x100: {  	[tilespmem:s25], [sflag:$0x3] =	stream.indirect.gather [hbm4b:s4+s23], $0x80, s14, s23, $0xb8;
	[tilespmem:$0x1FC00] =	vst v63  }
0x101: {  	_ =	swait.ge @!p0 [sflag:s12], $0x1800  }
0x102: {  	[sflag:s12] =	ssyncset.done @!p0 $0x0  }
0x103: {  	[sflag:s12] =	ssyncadd.s32 @!p0 $0xFFFFE800;
	s12 =	simm.s32 @!p0 $0xB  }
0x104: {  	_ =	swait.ge @!p0 [sflag:s12], $0x1800  }
0x105: {  	[sflag:s12] =	ssyncset.done @!p0 $0x0  }
0x106: {  	[sflag:s12] =	ssyncadd.s32 @!p0 $0xFFFFE800;
	s12 =	simm.s32 @!p0 $0xC  }
0x107: {  	s8 =	sshll.u32 s8, $0xC;
	_ =	swait.ge @!p0 [sflag:s12], $0x1800  }
0x108: {  	s8 =	sand.u32 $0x4000, s8;
	[sflag:s12] =	ssyncset.done @!p0 $0x0  }
0x109: {  	s8 =	ssub.s32 s8, s9;
	[sflag:s12] =	ssyncadd.s32 @!p0 $0xFFFFE800  }
0x10a: {  	s8 =	sshra.s32 s8, $0x2;
	_ =	swait.ge [sflag:s26], $0x1800  }
0x10b: {  	s8 =	sadd.s32 $0x1000, s8;
	[sflag:s26] =	ssyncset.done $0x0  }
0x10c: {  	s8 =	sadd.s32 s19, s8;
	[sflag:s26] =	ssyncadd.s32 $0xFFFFE800  }
0x10d: {  	[spmem:s1] =	stream.indirect.scatter.add.f32 [tilespmem:s21], [sflag:$0x7], $0x80, s8, s23, $0xb8;
	[tilespmem:$0x1FC00] =	vst v63  }
0x10e: {  	_ =	swait.ge [sflag:s28], $0x1800  }
0x10f: {  	[sflag:s28] =	ssyncset.done $0x0  }
0x110: {  	s15 =	sadd.s32 $0x80, s8;
	[sflag:s28] =	ssyncadd.s32 $0xFFFFE800  }
0x111: {  	[spmem:s1] =	stream.indirect.scatter.add.f32 [tilespmem:s24], [sflag:$0x8], $0x80, s15, s23, $0xb8;
	[tilespmem:$0x1FC00] =	vst v63  }
0x112: {  	_ =	swait.ge [sflag:s29], $0x1800  }
0x113: {  	[sflag:s29] =	ssyncset.done $0x0  }
0x114: {  	s16 =	sadd.s32 $0x100, s8;
	[sflag:s29] =	ssyncadd.s32 $0xFFFFE800  }
0x115: {  	[spmem:s1] =	stream.indirect.scatter.add.f32 [tilespmem:s25], [sflag:$0x9], $0x80, s16, s23, $0xb8;
	[tilespmem:$0x1FC00] =	vst v63  }
0x116: {  	s17 =	sadd.s32 $0x180, s10  }
0x117: {  	[tilespmem:s30], [sflag:$0x4] =	stream.indirect.gather [hbm4b:s4+s23], $0x80, s17, s23, $0xb8;
	[tilespmem:$0x1FC00] =	vst v63  }
0x118: {  	s18 =	sadd.s32 $0x200, s10  }
0x119: {  	[tilespmem:s31], [sflag:$0x5] =	stream.indirect.gather [hbm4b:s4+s23], $0x80, s18, s23, $0xb8;
	[tilespmem:$0x1FC00] =	vst v63  }
0x11a: {  	s19 =	sadd.s32 $0x280, s10  }
0x11b: {  	[tilespmem:s0], [sflag:$0x6] =	stream.indirect.gather [hbm4b:s4+s23], $0x80, s19, s23, $0xb8;
	[tilespmem:$0x1FC00] =	vst v63  }
0x11c: {  	_ =	swait.ge [sflag:s2], $0x1800  }
0x11d: {  	[sflag:s2] =	ssyncset.done $0x0  }
0x11e: {  	s20 =	sadd.s32 $0x180, s8;
	[sflag:s2] =	ssyncadd.s32 $0xFFFFE800  }
0x11f: {  	[spmem:s1] =	stream.indirect.scatter.add.f32 [tilespmem:s30], [sflag:$0xA], $0x80, s20, s23, $0xb8;
	[tilespmem:$0x1FC00] =	vst v63  }
0x120: {  	_ =	swait.ge [sflag:s6], $0x1800  }
0x121: {  	[sflag:s6] =	ssyncset.done $0x0  }
0x122: {  	s10 =	sadd.s32 $0x200, s8;
	[sflag:s6] =	ssyncadd.s32 $0xFFFFE800  }
0x123: {  	[spmem:s1] =	stream.indirect.scatter.add.f32 [tilespmem:s31], [sflag:$0xB], $0x80, s10, s23, $0xb8;
	[tilespmem:$0x1FC00] =	vst v63  }
0x124: {  	_ =	swait.ge [sflag:s7], $0x1800  }
0x125: {  	[sflag:s7] =	ssyncset.done $0x0  }
0x126: {  	s11 =	simm.s32 $0x7;
	s8 =	sadd.s32 $0x280, s8;
	[sflag:s7] =	ssyncadd.s32 $0xFFFFE800  }
0x127: {  	[spmem:s1] =	stream.indirect.scatter.add.f32 [tilespmem:s0], [sflag:$0xC], $0x80, s8, s23, $0xb8;
	[tilespmem:$0x1FC00] =	vst v63  }
0x128: {  	_ =	swait.ge [sflag:s11], $0x1800  }
0x129: {  	[sflag:s11] =	ssyncset.done $0x0  }
0x12a: {  	s12 =	simm.s32 $0x8;
	[sflag:s11] =	ssyncadd.s32 $0xFFFFE800  }
0x12b: {  	_ =	swait.ge [sflag:s12], $0x1800  }
0x12c: {  	[sflag:s12] =	ssyncset.done $0x0  }
0x12d: {  	s14 =	simm.s32 $0x9;
	[sflag:s12] =	ssyncadd.s32 $0xFFFFE800  }
0x12e: {  	_ =	swait.ge [sflag:s14], $0x1800  }
0x12f: {  	[sflag:s14] =	ssyncset.done $0x0  }
0x130: {  	s15 =	simm.s32 $0xA;
	[sflag:s14] =	ssyncadd.s32 $0xFFFFE800  }
0x131: {  	_ =	swait.ge [sflag:s15], $0x1800  }
0x132: {  	[sflag:s15] =	ssyncset.done $0x0  }
0x133: {  	s16 =	simm.s32 $0xB;
	[sflag:s15] =	ssyncadd.s32 $0xFFFFE800  }
0x134: {  	_ =	swait.ge [sflag:s16], $0x1800  }
0x135: {  	[sflag:s16] =	ssyncset.done $0x0  }
0x136: {  	[sflag:s16] =	ssyncadd.s32 $0xFFFFE800  }
0x137: {  	_ =	swait.ge [sflag:s13], $0x1800  }
0x138: {  	[sflag:s13] =	ssyncset.done $0x0  }
0x139: {  	s17 =	stileid.u32;
	[sflag:s13] =	ssyncadd.s32 $0xFFFFE800  }
0x13a: {  	s8 =	sshll.u32 s17, $0x6;
	[bflag:$0x0] =	sbarrier.arrive $0xFFFF  }
0x13b: {  	s18 =	sshrl.u32 s5, $0x3;
	s8 =	sor.u32 $0x1C0D, s8;
	s19 =	rddreg [dreg:$0x8]  }
0x13c: {  	[hbm:s19], [sflag:s8] =	dma.local [spmem:s18], $0x2780  }
0x13d: {  	_ =	swait.ge [sflag:s22], $0x2780  }
0x13e: {  	s3 =	sadd.s32 $0x1, s3;
	s20 =	rddreg [dreg:$0x9]  }
0x13f: {  	p0 =	sne.s32 s3, s20  }
.Ltmp2:
0x140: {  	_ = 	snop;
	(pc) =	sbr.rel @p0 .LBB2_1-.Ltmp2, $3  }
0x141: {  	_ =	sdelay $0x1  }
0x142: {  	[sflag:s22] =	ssyncset.done $0x0  }
0x143: {  	[sflag:s22] =	ssyncadd.s32 $0xFFFFD880  }
0x144: {  	_ =	sfence.sel $0x180000  }
0x145: {  	[bflag:$0x0] =	sbarrier.arrive $0xFFFF  }
0x146: {  	_ =	strace $0x90000047  }
0x147: {  	s0 =	stileid.u32;
	[bflag:$0x2] =	sbarrier.arrive $0xFFFF  }
0x148: {  	p0 =	sne.s32 s0, $0x0;
	s0 =	rddreg [dreg:$0x3]  }
0x149: {  	s0 =	sadd.s32 @!p0 $0x100000, s0  }
0x14a: {  	[sflag:s0] =	ssyncadd.tile.s32 @!p0 $0x1;
	_ =	shalt  }
.Lfunc_end2:
_tile_overlayer_lowered:
.L_overlay_start_2:
0x14b: {  	(tag) =	ssettag $0x2  }
0x14c: {  	s0 =	rddreg [dreg:$0x0];
	s2 =	stileid.u32  }
0x14d: {  	s1 =	rddreg [dreg:$0x1];
	p0 =	sne.s32 s2, $0x0  }
0x14e: {  	s3 =	rddreg [dreg:$0x2];
	[bflag:$0x3] =	sbarrier.arrive $0xFFFF;
	s2 =	simm.s32 @!p0 $0x1C0D  }
0x14f: {  	[timem:s3], [sflag:s2] =	dma.local @!p0 [hbm:s0], s1  }
0x150: {  	s0 =	simm.s32 @!p0 $0xD  }
0x151: {  	_ =	swait.ge @!p0 [sflag:s0], s1  }
0x152: {  	s1 =	ssub.s32 @!p0 $0x0, s1;
	[sflag:s0] =	ssyncset.done @!p0 $0x0  }
0x153: {  	[sflag:s0] =	ssyncadd.s32 @!p0 s1  }
0x154: {  	[bflag:$0x3] =	sbarrier.arrive $0xFFFF  }
0x155: {  	_ =	shalt  }

</sc_bundles>
